<compile_context>
chip_gen: v7x
topology: tpu7x:2x2x1
jax: 0.10.2.dev20260603
libtpu: 0.0.44.dev20260713+nightly
codegen_flags: <defaults>
</compile_context>

<pallas_src>
import functools

import jax
import jax.numpy as jnp
from jax import lax
from jax.experimental import pallas as pl
from jax.experimental.pallas import tpu as pltpu
from jax.experimental.pallas import tpu_sc as plsc

LANES = 16
GROUP = 16


def _make_kernel(B, S, D, Dp):
    NC, NS = 2, 16
    NW = NC * NS
    assert B % NW == 0
    nseg = B // NW
    assert nseg % GROUP == 0 and nseg % 2 == 0
    n_full = D // LANES
    offs = tuple(range(0, n_full * LANES, LANES))
    if D % LANES:
        offs = offs + (D - LANES,)
    inv_s = jnp.float32(1.0 / S)

    mesh = plsc.VectorSubcoreMesh(core_axis_name="c", subcore_axis_name="s")
    out_sds = jax.ShapeDtypeStruct((B, D), jnp.float32)

    @functools.partial(
        pl.kernel,
        out_type=(out_sds, out_sds),
        mesh=mesh,
        scratch_types=[
            pltpu.VMEM((nseg, S), jnp.int32),
            pltpu.VMEM((S, Dp), jnp.float32),
            pltpu.VMEM((S, Dp), jnp.float32),
            pltpu.VMEM((GROUP, D), jnp.float32),
            pltpu.SemaphoreType.DMA,
            pltpu.SemaphoreType.DMA,
        ],
        compiler_params=pltpu.CompilerParams(use_tc_tiling_on_sc=False,
                                            needs_layout_passes=False),
    )
    def k(prem_hbm, hyp_hbm, table_hbm, out_p, out_h,
          idx_v, rows0, rows1, stage, sem0, sem1):
        wid = lax.axis_index("s") * NC + lax.axis_index("c")
        base = wid * nseg
        bufs = (rows0, rows1)
        sems = (sem0, sem1)

        def start(g, buf, sem):
            pltpu.make_async_copy(table_hbm.at[idx_v.at[g]], buf, sem).start()

        def wait(g, buf, sem):
            pltpu.make_async_copy(table_hbm.at[idx_v.at[g]], buf, sem).wait()

        def process(idx_hbm, out_hbm):
            pltpu.sync_copy(idx_hbm.at[pl.ds(pl.multiple_of(base, 8), nseg)],
                            idx_v)
            start(0, bufs[0], sems[0])
            start(1, bufs[1], sems[1])

            def outer(g2, carry):
                for b in range(2):
                    gg = g2 * 2 + b
                    wait(gg, bufs[b], sems[b])
                    buf = bufs[b]

                    def srow(s, accs):
                        return tuple(
                            a + buf[s, pl.ds(o, LANES)]
                            for a, o in zip(accs, offs)
                        )

                    accs = lax.fori_loop(
                        0, S, srow,
                        tuple(jnp.zeros((LANES,), jnp.float32) for _ in offs),
                    )

                    @pl.when(gg + 2 < nseg)
                    def _():
                        start(gg + 2, bufs[b], sems[b])

                    row = lax.rem(gg, GROUP)
                    for a, o in zip(accs, offs):
                        stage[row, pl.ds(o, LANES)] = a * inv_s

                    @pl.when(row == GROUP - 1)
                    def _():
                        flush_base = pl.multiple_of(
                            base + gg - (GROUP - 1), 8)
                        pltpu.sync_copy(
                            stage, out_hbm.at[pl.ds(flush_base, GROUP)])
                return carry

            lax.fori_loop(0, nseg // 2, outer, 0)

        process(prem_hbm, out_p)
        process(hyp_hbm, out_h)

    return k


def kernel(premises, hypothesis, glove_embeddings):
    B, S = premises.shape
    V, D = glove_embeddings.shape
    Dp = (D + 7) // 8 * 8
    if Dp != D:
        glove_embeddings = jnp.pad(glove_embeddings, ((0, 0), (0, Dp - D)))
    k = _make_kernel(B, S, D, Dp)
    return k(premises, hypothesis, glove_embeddings)

# --- scband reference (transcript-rebuilt; emitter-appended) ---
"""Pipeline reference for scband-aweencoder-16647293240043 (READ-ONLY COPY).

The authoritative reference and input builder live on the scoring server;
editing this copy changes nothing except your own understanding.
"""

import jax, jax.numpy as jnp
import numpy as np

VOCAB = 400000
DIM = 300
BATCH = 4096
SEQ = 50


def setup_inputs(seed: int = 0) -> dict:
    key = jax.random.key(seed)
    k1, k2, k3 = jax.random.split(key, 3)
    premises = jax.random.randint(k1, (BATCH, SEQ), 0, VOCAB, dtype=jnp.int32)
    hypothesis = jax.random.randint(k2, (BATCH, SEQ), 0, VOCAB, dtype=jnp.int32)
    glove_embeddings = jax.random.normal(k3, (VOCAB, DIM), dtype=jnp.float32)
    return {"premises": premises, "hypothesis": hypothesis, "glove_embeddings": glove_embeddings}


def reference(premises, hypothesis, glove_embeddings):
    # AWE encoder: GloVe embedding lookup followed by mean over the sequence dim.
    premise_tok = jnp.take(glove_embeddings, premises, axis=0)      # [B, S, D]
    hypothesis_tok = jnp.take(glove_embeddings, hypothesis, axis=0)  # [B, S, D]
    premise_embeddings = jnp.mean(premise_tok, axis=1)              # [B, D]
    hypothesis_embeddings = jnp.mean(hypothesis_tok, axis=1)        # [B, D]
    return (premise_embeddings, hypothesis_embeddings)

if __name__ == "__main__":
    import jax
    _d = setup_inputs()
    print(jax.jit(kernel)(*tuple(_d.values())))

</pallas_src>

<mosaic_0001>
#map = affine_map<(d0, d1) -> (0, 0)>
#map1 = affine_map<(d0, d1) -> (0)>
module attributes {stable_mosaic.version = 14 : i64} {
  func.func @_rewritten_body(%arg0: i32, %arg1: i32, %arg2: memref<4096x50xi32, #tpu.memory_space<hbm>>, %arg3: memref<4096x50xi32, #tpu.memory_space<hbm>>, %arg4: memref<400000x304xf32, #tpu.memory_space<hbm>>, %arg5: memref<1xf32, #tpu.memory_space<hbm>>, %arg6: memref<4096x300xf32, #tpu.memory_space<hbm>>, %arg7: memref<4096x300xf32, #tpu.memory_space<hbm>>, %arg8: memref<128x50xi32, #tpu.memory_space<vmem>>, %arg9: memref<50x304xf32, #tpu.memory_space<vmem>>, %arg10: memref<50x304xf32, #tpu.memory_space<vmem>>, %arg11: memref<16x300xf32, #tpu.memory_space<vmem>>, %arg12: memref<!tpu.dma_semaphore, #tpu.memory_space<semaphore_mem>>, %arg13: memref<!tpu.dma_semaphore, #tpu.memory_space<semaphore_mem>>) attributes {dimension_semantics = [#tpu.dimension_semantics<core_parallel>, #tpu.dimension_semantics<subcore_parallel>], iteration_bounds = array<i64: 2, 16>, scalar_prefetch = 0 : i64, scratch_operands = 6 : i64, tpu.core_type = #tpu.core_type<sc_vector_subcore>, window_params = [{transform_indices = #map}, {transform_indices = #map}, {transform_indices = #map}, {transform_indices = #map1}, {transform_indices = #map}, {transform_indices = #map}]} {
    %empty_ref3A = memref.alloca() : memref<16xf32, #tpu.memory_space<vmem>>
    "tpu.region"() ({
      %run_scoped3A = tpu.sem_alloc : memref<!tpu.dma_semaphore, #tpu.memory_space<semaphore_mem>>
      %dma_start3A_43 = arith.constant 0 : i32
      %dma_start3A_44 = tpu.memref_slice %empty_ref3A[%dma_start3A_43] : memref<16xf32, #tpu.memory_space<vmem>> -> memref<1xf32, #tpu.memory_space<vmem>>
      %dma_start3A_45 = arith.constant 0 : i32
      %dma_start3A_46 = tpu.memref_slice %empty_ref3A[%dma_start3A_45] : memref<16xf32, #tpu.memory_space<vmem>> -> memref<1xf32, #tpu.memory_space<vmem>>
      tpu.enqueue_dma source(%arg5 : memref<1xf32, #tpu.memory_space<hbm>>) target(%dma_start3A_46 : memref<1xf32, #tpu.memory_space<vmem>>) target_semaphore(%run_scoped3A : memref<!tpu.dma_semaphore, #tpu.memory_space<semaphore_mem>>)
      %dma_wait3A = arith.constant 0 : i32
      %dma_wait3A_47 = tpu.memref_slice %empty_ref3A[%dma_wait3A] : memref<16xf32, #tpu.memory_space<vmem>> -> memref<1xf32, #tpu.memory_space<vmem>>
      %dma_wait3A_48 = arith.constant 0 : i32
      %dma_wait3A_49 = tpu.memref_slice %empty_ref3A[%dma_wait3A_48] : memref<16xf32, #tpu.memory_space<vmem>> -> memref<1xf32, #tpu.memory_space<vmem>>
      tpu.wait_dma2 semaphore(%run_scoped3A : memref<!tpu.dma_semaphore, #tpu.memory_space<semaphore_mem>>) src(%arg5 : memref<1xf32, #tpu.memory_space<hbm>>) dst(%dma_wait3A_49 : memref<1xf32, #tpu.memory_space<vmem>>)
      tpu.yield
    }) : () -> ()
    %get3A = arith.constant 0 : index
    %get3A_0 = tpu.vector_load %empty_ref3A[%get3A] {strides = array<i32>} : memref<16xf32, #tpu.memory_space<vmem>>, vector<16xf32>,
    %slice3A = vector.extract_strided_slice %get3A_0 {offsets = [0], sizes = [1], strides = [1]} : vector<16xf32> to vector<1xf32>
    %squeeze3A = vector.extract %slice3A[0] : f32 from vector<1xf32>
    %mul3A = arith.constant 2 : i32
    %mul3A_1 = arith.muli %arg1, %mul3A : i32
    %add3A = arith.addi %mul3A_1, %arg0 : i32
    %mul3A_2 = arith.constant 128 : i32
    %mul3A_3 = arith.muli %add3A, %mul3A_2 : i32
    %multiple_of3A = tpu.assume_multiple %mul3A_3, 8 : i32
    "tpu.region"() ({
      %run_scoped3A = tpu.sem_alloc : memref<!tpu.dma_semaphore, #tpu.memory_space<semaphore_mem>>
      %dma_start3A_43 = arith.constant 0 : i32
      %dma_start3A_44 = tpu.memref_slice %arg2[%multiple_of3A, %dma_start3A_43] : memref<4096x50xi32, #tpu.memory_space<hbm>> -> memref<128x50xi32, #tpu.memory_space<hbm>>
      %dma_start3A_45 = arith.constant 0 : i32
      %dma_start3A_46 = tpu.memref_slice %arg2[%multiple_of3A, %dma_start3A_45] : memref<4096x50xi32, #tpu.memory_space<hbm>> -> memref<128x50xi32, #tpu.memory_space<hbm>>
      tpu.enqueue_dma source(%dma_start3A_46 : memref<128x50xi32, #tpu.memory_space<hbm>>) target(%arg8 : memref<128x50xi32, #tpu.memory_space<vmem>>) target_semaphore(%run_scoped3A : memref<!tpu.dma_semaphore, #tpu.memory_space<semaphore_mem>>)
      %dma_wait3A = arith.constant 0 : i32
      %dma_wait3A_47 = tpu.memref_slice %arg2[%multiple_of3A, %dma_wait3A] : memref<4096x50xi32, #tpu.memory_space<hbm>> -> memref<128x50xi32, #tpu.memory_space<hbm>>
      %dma_wait3A_48 = arith.constant 0 : i32
      %dma_wait3A_49 = tpu.memref_slice %arg2[%multiple_of3A, %dma_wait3A_48] : memref<4096x50xi32, #tpu.memory_space<hbm>> -> memref<128x50xi32, #tpu.memory_space<hbm>>
      tpu.wait_dma2 semaphore(%run_scoped3A : memref<!tpu.dma_semaphore, #tpu.memory_space<semaphore_mem>>) src(%dma_wait3A_49 : memref<128x50xi32, #tpu.memory_space<hbm>>) dst(%arg8 : memref<128x50xi32, #tpu.memory_space<vmem>>)
      tpu.yield
    }) : () -> ()
    %dma_start3A = arith.constant 0 : i32
    %dma_start3A_4 = arith.constant 0 : i32
    %dma_start3A_5 = tpu.memref_slice %arg8[%dma_start3A, %dma_start3A_4] : memref<128x50xi32, #tpu.memory_space<vmem>> -> memref<1x50xi32, #tpu.memory_space<vmem>>
    %dma_start3A_6 = tpu.memref_squeeze %dma_start3A_5 : memref<1x50xi32, #tpu.memory_space<vmem>> -> memref<50xi32, #tpu.memory_space<vmem>>
    %dma_start3A_7 = arith.constant 0 : i32
    %dma_start3A_8 = arith.constant 0 : i32
    %dma_start3A_9 = tpu.memref_slice %arg4[%dma_start3A_7, %dma_start3A_8] : memref<400000x304xf32, #tpu.memory_space<hbm>> -> memref<400000x304xf32, #tpu.memory_space<hbm>>
    tpu.enqueue_indirect_dma source(%dma_start3A_9 : memref<400000x304xf32, #tpu.memory_space<hbm>>) target(%arg9 : memref<50x304xf32, #tpu.memory_space<vmem>>) offsets(%dma_start3A_6 : memref<50xi32, #tpu.memory_space<vmem>>) semaphore(%arg12 : memref<!tpu.dma_semaphore, #tpu.memory_space<semaphore_mem>>)
    %dma_start3A_10 = arith.constant 1 : i32
    %dma_start3A_11 = arith.constant 0 : i32
    %dma_start3A_12 = tpu.memref_slice %arg8[%dma_start3A_10, %dma_start3A_11] : memref<128x50xi32, #tpu.memory_space<vmem>> -> memref<1x50xi32, #tpu.memory_space<vmem>>
    %dma_start3A_13 = tpu.memref_squeeze %dma_start3A_12 : memref<1x50xi32, #tpu.memory_space<vmem>> -> memref<50xi32, #tpu.memory_space<vmem>>
    %dma_start3A_14 = arith.constant 0 : i32
    %dma_start3A_15 = arith.constant 0 : i32
    %dma_start3A_16 = tpu.memref_slice %arg4[%dma_start3A_14, %dma_start3A_15] : memref<400000x304xf32, #tpu.memory_space<hbm>> -> memref<400000x304xf32, #tpu.memory_space<hbm>>
    tpu.enqueue_indirect_dma source(%dma_start3A_16 : memref<400000x304xf32, #tpu.memory_space<hbm>>) target(%arg10 : memref<50x304xf32, #tpu.memory_space<vmem>>) offsets(%dma_start3A_13 : memref<50xi32, #tpu.memory_space<vmem>>) semaphore(%arg13 : memref<!tpu.dma_semaphore, #tpu.memory_space<semaphore_mem>>)
    %scan3A = arith.constant 0 : i32
    %scan3A_17 = arith.constant 0 : i32
    %scan3A_18 = arith.constant 64 : i32
    %scan3A_19 = arith.addi %scan3A_17, %scan3A_18 : i32
    %scan3A_20 = arith.constant 1 : i32
    scf.for %scan3A_43 = %scan3A_17 to %scan3A_19 step %scan3A_20  : i32 {
      %mul3A_44 = arith.constant 2 : i32
      %mul3A_45 = arith.muli %scan3A_43, %mul3A_44 : i32
      %add3A_46 = arith.constant 0 : i32
      %add3A_47 = arith.addi %mul3A_45, %add3A_46 : i32
      %dma_wait3A = arith.constant 0 : i32
      %dma_wait3A_48 = tpu.memref_slice %arg8[%add3A_47, %dma_wait3A] : memref<128x50xi32, #tpu.memory_space<vmem>> -> memref<1x50xi32, #tpu.memory_space<vmem>>
      %dma_wait3A_49 = tpu.memref_squeeze %dma_wait3A_48 : memref<1x50xi32, #tpu.memory_space<vmem>> -> memref<50xi32, #tpu.memory_space<vmem>>
      %dma_wait3A_50 = arith.constant 0 : i32
      %dma_wait3A_51 = arith.constant 0 : i32
      %dma_wait3A_52 = tpu.memref_slice %arg4[%dma_wait3A_50, %dma_wait3A_51] : memref<400000x304xf32, #tpu.memory_space<hbm>> -> memref<400000x304xf32, #tpu.memory_space<hbm>>
      tpu.wait_indirect_dma semaphore(%arg12 : memref<!tpu.dma_semaphore, #tpu.memory_space<semaphore_mem>>) src(%dma_wait3A_52 : memref<400000x304xf32, #tpu.memory_space<hbm>>) dst(%arg9 : memref<50x304xf32, #tpu.memory_space<vmem>>)
      %broadcast_in_dim3A = arith.constant 0.000000e+00 : f32
      %broadcast_in_dim3A_53 = vector.broadcast %broadcast_in_dim3A : f32 to vector<16xf32>
      %broadcast_in_dim3A_54 = arith.constant 0.000000e+00 : f32
      %broadcast_in_dim3A_55 = vector.broadcast %broadcast_in_dim3A_54 : f32 to vector<16xf32>
      %broadcast_in_dim3A_56 = arith.constant 0.000000e+00 : f32
      %broadcast_in_dim3A_57 = vector.broadcast %broadcast_in_dim3A_56 : f32 to vector<16xf32>
      %broadcast_in_dim3A_58 = arith.constant 0.000000e+00 : f32
      %broadcast_in_dim3A_59 = vector.broadcast %broadcast_in_dim3A_58 : f32 to vector<16xf32>
      %broadcast_in_dim3A_60 = arith.constant 0.000000e+00 : f32
      %broadcast_in_dim3A_61 = vector.broadcast %broadcast_in_dim3A_60 : f32 to vector<16xf32>
      %broadcast_in_dim3A_62 = arith.constant 0.000000e+00 : f32
      %broadcast_in_dim3A_63 = vector.broadcast %broadcast_in_dim3A_62 : f32 to vector<16xf32>
      %broadcast_in_dim3A_64 = arith.constant 0.000000e+00 : f32
      %broadcast_in_dim3A_65 = vector.broadcast %broadcast_in_dim3A_64 : f32 to vector<16xf32>
      %broadcast_in_dim3A_66 = arith.constant 0.000000e+00 : f32
      %broadcast_in_dim3A_67 = vector.broadcast %broadcast_in_dim3A_66 : f32 to vector<16xf32>
      %broadcast_in_dim3A_68 = arith.constant 0.000000e+00 : f32
      %broadcast_in_dim3A_69 = vector.broadcast %broadcast_in_dim3A_68 : f32 to vector<16xf32>
      %broadcast_in_dim3A_70 = arith.constant 0.000000e+00 : f32
      %broadcast_in_dim3A_71 = vector.broadcast %broadcast_in_dim3A_70 : f32 to vector<16xf32>
      %broadcast_in_dim3A_72 = arith.constant 0.000000e+00 : f32
      %broadcast_in_dim3A_73 = vector.broadcast %broadcast_in_dim3A_72 : f32 to vector<16xf32>
      %broadcast_in_dim3A_74 = arith.constant 0.000000e+00 : f32
      %broadcast_in_dim3A_75 = vector.broadcast %broadcast_in_dim3A_74 : f32 to vector<16xf32>
      %broadcast_in_dim3A_76 = arith.constant 0.000000e+00 : f32
      %broadcast_in_dim3A_77 = vector.broadcast %broadcast_in_dim3A_76 : f32 to vector<16xf32>
      %broadcast_in_dim3A_78 = arith.constant 0.000000e+00 : f32
      %broadcast_in_dim3A_79 = vector.broadcast %broadcast_in_dim3A_78 : f32 to vector<16xf32>
      %broadcast_in_dim3A_80 = arith.constant 0.000000e+00 : f32
      %broadcast_in_dim3A_81 = vector.broadcast %broadcast_in_dim3A_80 : f32 to vector<16xf32>
      %broadcast_in_dim3A_82 = arith.constant 0.000000e+00 : f32
      %broadcast_in_dim3A_83 = vector.broadcast %broadcast_in_dim3A_82 : f32 to vector<16xf32>
      %broadcast_in_dim3A_84 = arith.constant 0.000000e+00 : f32
      %broadcast_in_dim3A_85 = vector.broadcast %broadcast_in_dim3A_84 : f32 to vector<16xf32>
      %broadcast_in_dim3A_86 = arith.constant 0.000000e+00 : f32
      %broadcast_in_dim3A_87 = vector.broadcast %broadcast_in_dim3A_86 : f32 to vector<16xf32>
      %broadcast_in_dim3A_88 = arith.constant 0.000000e+00 : f32
      %broadcast_in_dim3A_89 = vector.broadcast %broadcast_in_dim3A_88 : f32 to vector<16xf32>
      %scan3A_90 = arith.constant 0 : i32
      %scan3A_91 = arith.constant 50 : i32
      %scan3A_92 = arith.addi %scan3A_90, %scan3A_91 : i32
      %scan3A_93 = arith.constant 1 : i32
      %scan3A_94:19 = scf.for %scan3A_362 = %scan3A_90 to %scan3A_92 step %scan3A_93 iter_args(%scan3A_363 = %broadcast_in_dim3A_53, %scan3A_364 = %broadcast_in_dim3A_55, %scan3A_365 = %broadcast_in_dim3A_57, %scan3A_366 = %broadcast_in_dim3A_59, %scan3A_367 = %broadcast_in_dim3A_61, %scan3A_368 = %broadcast_in_dim3A_63, %scan3A_369 = %broadcast_in_dim3A_65, %scan3A_370 = %broadcast_in_dim3A_67, %scan3A_371 = %broadcast_in_dim3A_69, %scan3A_372 = %broadcast_in_dim3A_71, %scan3A_373 = %broadcast_in_dim3A_73, %scan3A_374 = %broadcast_in_dim3A_75, %scan3A_375 = %broadcast_in_dim3A_77, %scan3A_376 = %broadcast_in_dim3A_79, %scan3A_377 = %broadcast_in_dim3A_81, %scan3A_378 = %broadcast_in_dim3A_83, %scan3A_379 = %broadcast_in_dim3A_85, %scan3A_380 = %broadcast_in_dim3A_87, %scan3A_381 = %broadcast_in_dim3A_89) -> (vector<16xf32>, vector<16xf32>, vector<16xf32>, vector<16xf32>, vector<16xf32>, vector<16xf32>, vector<16xf32>, vector<16xf32>, vector<16xf32>, vector<16xf32>, vector<16xf32>, vector<16xf32>, vector<16xf32>, vector<16xf32>, vector<16xf32>, vector<16xf32>, vector<16xf32>, vector<16xf32>, vector<16xf32>)  : i32 {
        %get3A_382 = arith.index_cast %scan3A_362 : i32 to index
        %get3A_383 = arith.constant 0 : index
        %get3A_384 = tpu.vector_load %arg9[%get3A_382, %get3A_383] {strides = array<i32>} : memref<50x304xf32, #tpu.memory_space<vmem>>, vector<16xf32>,
        %add3A_385 = arith.addf %scan3A_363, %get3A_384 : vector<16xf32>
        %get3A_386 = arith.index_cast %scan3A_362 : i32 to index
        %get3A_387 = arith.constant 16 : index
        %get3A_388 = tpu.vector_load %arg9[%get3A_386, %get3A_387] {strides = array<i32>} : memref<50x304xf32, #tpu.memory_space<vmem>>, vector<16xf32>,
        %add3A_389 = arith.addf %scan3A_364, %get3A_388 : vector<16xf32>
        %get3A_390 = arith.index_cast %scan3A_362 : i32 to index
        %get3A_391 = arith.constant 32 : index
        %get3A_392 = tpu.vector_load %arg9[%get3A_390, %get3A_391] {strides = array<i32>} : memref<50x304xf32, #tpu.memory_space<vmem>>, vector<16xf32>,
        %add3A_393 = arith.addf %scan3A_365, %get3A_392 : vector<16xf32>
        %get3A_394 = arith.index_cast %scan3A_362 : i32 to index
        %get3A_395 = arith.constant 48 : index
        %get3A_396 = tpu.vector_load %arg9[%get3A_394, %get3A_395] {strides = array<i32>} : memref<50x304xf32, #tpu.memory_space<vmem>>, vector<16xf32>,
        %add3A_397 = arith.addf %scan3A_366, %get3A_396 : vector<16xf32>
        %get3A_398 = arith.index_cast %scan3A_362 : i32 to index
        %get3A_399 = arith.constant 64 : index
        %get3A_400 = tpu.vector_load %arg9[%get3A_398, %get3A_399] {strides = array<i32>} : memref<50x304xf32, #tpu.memory_space<vmem>>, vector<16xf32>,
        %add3A_401 = arith.addf %scan3A_367, %get3A_400 : vector<16xf32>
        %get3A_402 = arith.index_cast %scan3A_362 : i32 to index
        %get3A_403 = arith.constant 80 : index
        %get3A_404 = tpu.vector_load %arg9[%get3A_402, %get3A_403] {strides = array<i32>} : memref<50x304xf32, #tpu.memory_space<vmem>>, vector<16xf32>,
        %add3A_405 = arith.addf %scan3A_368, %get3A_404 : vector<16xf32>
        %get3A_406 = arith.index_cast %scan3A_362 : i32 to index
        %get3A_407 = arith.constant 96 : index
        %get3A_408 = tpu.vector_load %arg9[%get3A_406, %get3A_407] {strides = array<i32>} : memref<50x304xf32, #tpu.memory_space<vmem>>, vector<16xf32>,
        %add3A_409 = arith.addf %scan3A_369, %get3A_408 : vector<16xf32>
        %get3A_410 = arith.index_cast %scan3A_362 : i32 to index
        %get3A_411 = arith.constant 112 : index
        %get3A_412 = tpu.vector_load %arg9[%get3A_410, %get3A_411] {strides = array<i32>} : memref<50x304xf32, #tpu.memory_space<vmem>>, vector<16xf32>,
        %add3A_413 = arith.addf %scan3A_370, %get3A_412 : vector<16xf32>
        %get3A_414 = arith.index_cast %scan3A_362 : i32 to index
        %get3A_415 = arith.constant 128 : index
        %get3A_416 = tpu.vector_load %arg9[%get3A_414, %get3A_415] {strides = array<i32>} : memref<50x304xf32, #tpu.memory_space<vmem>>, vector<16xf32>,
        %add3A_417 = arith.addf %scan3A_371, %get3A_416 : vector<16xf32>
        %get3A_418 = arith.index_cast %scan3A_362 : i32 to index
        %get3A_419 = arith.constant 144 : index
        %get3A_420 = tpu.vector_load %arg9[%get3A_418, %get3A_419] {strides = array<i32>} : memref<50x304xf32, #tpu.memory_space<vmem>>, vector<16xf32>,
        %add3A_421 = arith.addf %scan3A_372, %get3A_420 : vector<16xf32>
        %get3A_422 = arith.index_cast %scan3A_362 : i32 to index
        %get3A_423 = arith.constant 160 : index
        %get3A_424 = tpu.vector_load %arg9[%get3A_422, %get3A_423] {strides = array<i32>} : memref<50x304xf32, #tpu.memory_space<vmem>>, vector<16xf32>,
        %add3A_425 = arith.addf %scan3A_373, %get3A_424 : vector<16xf32>
        %get3A_426 = arith.index_cast %scan3A_362 : i32 to index
        %get3A_427 = arith.constant 176 : index
        %get3A_428 = tpu.vector_load %arg9[%get3A_426, %get3A_427] {strides = array<i32>} : memref<50x304xf32, #tpu.memory_space<vmem>>, vector<16xf32>,
        %add3A_429 = arith.addf %scan3A_374, %get3A_428 : vector<16xf32>
        %get3A_430 = arith.index_cast %scan3A_362 : i32 to index
        %get3A_431 = arith.constant 192 : index
        %get3A_432 = tpu.vector_load %arg9[%get3A_430, %get3A_431] {strides = array<i32>} : memref<50x304xf32, #tpu.memory_space<vmem>>, vector<16xf32>,
        %add3A_433 = arith.addf %scan3A_375, %get3A_432 : vector<16xf32>
        %get3A_434 = arith.index_cast %scan3A_362 : i32 to index
        %get3A_435 = arith.constant 208 : index
        %get3A_436 = tpu.vector_load %arg9[%get3A_434, %get3A_435] {strides = array<i32>} : memref<50x304xf32, #tpu.memory_space<vmem>>, vector<16xf32>,
        %add3A_437 = arith.addf %scan3A_376, %get3A_436 : vector<16xf32>
        %get3A_438 = arith.index_cast %scan3A_362 : i32 to index
        %get3A_439 = arith.constant 224 : index
        %get3A_440 = tpu.vector_load %arg9[%get3A_438, %get3A_439] {strides = array<i32>} : memref<50x304xf32, #tpu.memory_space<vmem>>, vector<16xf32>,
        %add3A_441 = arith.addf %scan3A_377, %get3A_440 : vector<16xf32>
        %get3A_442 = arith.index_cast %scan3A_362 : i32 to index
        %get3A_443 = arith.constant 240 : index
        %get3A_444 = tpu.vector_load %arg9[%get3A_442, %get3A_443] {strides = array<i32>} : memref<50x304xf32, #tpu.memory_space<vmem>>, vector<16xf32>,
        %add3A_445 = arith.addf %scan3A_378, %get3A_444 : vector<16xf32>
        %get3A_446 = arith.index_cast %scan3A_362 : i32 to index
        %get3A_447 = arith.constant 256 : index
        %get3A_448 = tpu.vector_load %arg9[%get3A_446, %get3A_447] {strides = array<i32>} : memref<50x304xf32, #tpu.memory_space<vmem>>, vector<16xf32>,
        %add3A_449 = arith.addf %scan3A_379, %get3A_448 : vector<16xf32>
        %get3A_450 = arith.index_cast %scan3A_362 : i32 to index
        %get3A_451 = arith.constant 272 : index
        %get3A_452 = tpu.vector_load %arg9[%get3A_450, %get3A_451] {strides = array<i32>} : memref<50x304xf32, #tpu.memory_space<vmem>>, vector<16xf32>,
        %add3A_453 = arith.addf %scan3A_380, %get3A_452 : vector<16xf32>
        %get3A_454 = arith.index_cast %scan3A_362 : i32 to index
        %get3A_455 = arith.constant 284 : index
        %get3A_456 = tpu.vector_load %arg9[%get3A_454, %get3A_455] {strides = array<i32>} : memref<50x304xf32, #tpu.memory_space<vmem>>, vector<16xf32>,
        %add3A_457 = arith.addf %scan3A_381, %get3A_456 : vector<16xf32>
        scf.yield %add3A_385, %add3A_389, %add3A_393, %add3A_397, %add3A_401, %add3A_405, %add3A_409, %add3A_413, %add3A_417, %add3A_421, %add3A_425, %add3A_429, %add3A_433, %add3A_437, %add3A_441, %add3A_445, %add3A_449, %add3A_453, %add3A_457 : vector<16xf32>, vector<16xf32>, vector<16xf32>, vector<16xf32>, vector<16xf32>, vector<16xf32>, vector<16xf32>, vector<16xf32>, vector<16xf32>, vector<16xf32>, vector<16xf32>, vector<16xf32>, vector<16xf32>, vector<16xf32>, vector<16xf32>, vector<16xf32>, vector<16xf32>, vector<16xf32>, vector<16xf32>
      }
      %scan3A_95 = arith.constant 50 : i32
      %add3A_96 = arith.constant 2 : i32
      %add3A_97 = arith.addi %add3A_47, %add3A_96 : i32
      %lt3A = arith.constant 128 : i32
      %lt3A_98 = arith.cmpi slt, %add3A_97, %lt3A : i32
      %convert_element_type3A = arith.extui %lt3A_98 : i1 to i32
      %cond3A = arith.constant 0 : i32
      %cond3A_99 = arith.cmpi ne, %convert_element_type3A, %cond3A : i32
      scf.if %cond3A_99 {
        %add3A_362 = arith.constant 2 : i32
        %add3A_363 = arith.addi %add3A_47, %add3A_362 : i32
        %dma_start3A_364 = arith.constant 0 : i32
        %dma_start3A_365 = tpu.memref_slice %arg8[%add3A_363, %dma_start3A_364] : memref<128x50xi32, #tpu.memory_space<vmem>> -> memref<1x50xi32, #tpu.memory_space<vmem>>
        %dma_start3A_366 = tpu.memref_squeeze %dma_start3A_365 : memref<1x50xi32, #tpu.memory_space<vmem>> -> memref<50xi32, #tpu.memory_space<vmem>>
        %dma_start3A_367 = arith.constant 0 : i32
        %dma_start3A_368 = arith.constant 0 : i32
        %dma_start3A_369 = tpu.memref_slice %arg4[%dma_start3A_367, %dma_start3A_368] : memref<400000x304xf32, #tpu.memory_space<hbm>> -> memref<400000x304xf32, #tpu.memory_space<hbm>>
        tpu.enqueue_indirect_dma source(%dma_start3A_369 : memref<400000x304xf32, #tpu.memory_space<hbm>>) target(%arg9 : memref<50x304xf32, #tpu.memory_space<vmem>>) offsets(%dma_start3A_366 : memref<50xi32, #tpu.memory_space<vmem>>) semaphore(%arg12 : memref<!tpu.dma_semaphore, #tpu.memory_space<semaphore_mem>>)
      } else {
      }
      %rem3A = arith.constant 16 : i32
      %rem3A_100 = arith.remsi %add3A_47, %rem3A : i32
      %mul3A_101 = vector.broadcast %squeeze3A : f32 to vector<16xf32>
      %mul3A_102 = arith.mulf %scan3A_94#0, %mul3A_101 : vector<16xf32>
      %swap3A = arith.index_cast %rem3A_100 : i32 to index
      %swap3A_103 = arith.constant 0 : index
      %swap3A_104 = tpu.vector_load %arg11[%swap3A, %swap3A_103] {strides = array<i32>} : memref<16x300xf32, #tpu.memory_space<vmem>>, vector<16xf32>,
      tpu.vector_store %arg11[%swap3A, %swap3A_103], %mul3A_102 {strides = array<i32>} : memref<16x300xf32, #tpu.memory_space<vmem>>, vector<16xf32>,
      %mul3A_105 = vector.broadcast %squeeze3A : f32 to vector<16xf32>
      %mul3A_106 = arith.mulf %scan3A_94#1, %mul3A_105 : vector<16xf32>
      %swap3A_107 = arith.index_cast %rem3A_100 : i32 to index
      %swap3A_108 = arith.constant 16 : index
      %swap3A_109 = tpu.vector_load %arg11[%swap3A_107, %swap3A_108] {strides = array<i32>} : memref<16x300xf32, #tpu.memory_space<vmem>>, vector<16xf32>,
      tpu.vector_store %arg11[%swap3A_107, %swap3A_108], %mul3A_106 {strides = array<i32>} : memref<16x300xf32, #tpu.memory_space<vmem>>, vector<16xf32>,
      %mul3A_110 = vector.broadcast %squeeze3A : f32 to vector<16xf32>
      %mul3A_111 = arith.mulf %scan3A_94#2, %mul3A_110 : vector<16xf32>
      %swap3A_112 = arith.index_cast %rem3A_100 : i32 to index
      %swap3A_113 = arith.constant 32 : index
      %swap3A_114 = tpu.vector_load %arg11[%swap3A_112, %swap3A_113] {strides = array<i32>} : memref<16x300xf32, #tpu.memory_space<vmem>>, vector<16xf32>,
      tpu.vector_store %arg11[%swap3A_112, %swap3A_113], %mul3A_111 {strides = array<i32>} : memref<16x300xf32, #tpu.memory_space<vmem>>, vector<16xf32>,
      %mul3A_115 = vector.broadcast %squeeze3A : f32 to vector<16xf32>
      %mul3A_116 = arith.mulf %scan3A_94#3, %mul3A_115 : vector<16xf32>
      %swap3A_117 = arith.index_cast %rem3A_100 : i32 to index
      %swap3A_118 = arith.constant 48 : index
      %swap3A_119 = tpu.vector_load %arg11[%swap3A_117, %swap3A_118] {strides = array<i32>} : memref<16x300xf32, #tpu.memory_space<vmem>>, vector<16xf32>,
      tpu.vector_store %arg11[%swap3A_117, %swap3A_118], %mul3A_116 {strides = array<i32>} : memref<16x300xf32, #tpu.memory_space<vmem>>, vector<16xf32>,
      %mul3A_120 = vector.broadcast %squeeze3A : f32 to vector<16xf32>
      %mul3A_121 = arith.mulf %scan3A_94#4, %mul3A_120 : vector<16xf32>
      %swap3A_122 = arith.index_cast %rem3A_100 : i32 to index
      %swap3A_123 = arith.constant 64 : index
      %swap3A_124 = tpu.vector_load %arg11[%swap3A_122, %swap3A_123] {strides = array<i32>} : memref<16x300xf32, #tpu.memory_space<vmem>>, vector<16xf32>,
      tpu.vector_store %arg11[%swap3A_122, %swap3A_123], %mul3A_121 {strides = array<i32>} : memref<16x300xf32, #tpu.memory_space<vmem>>, vector<16xf32>,
      %mul3A_125 = vector.broadcast %squeeze3A : f32 to vector<16xf32>
      %mul3A_126 = arith.mulf %scan3A_94#5, %mul3A_125 : vector<16xf32>
      %swap3A_127 = arith.index_cast %rem3A_100 : i32 to index
      %swap3A_128 = arith.constant 80 : index
      %swap3A_129 = tpu.vector_load %arg11[%swap3A_127, %swap3A_128] {strides = array<i32>} : memref<16x300xf32, #tpu.memory_space<vmem>>, vector<16xf32>,
      tpu.vector_store %arg11[%swap3A_127, %swap3A_128], %mul3A_126 {strides = array<i32>} : memref<16x300xf32, #tpu.memory_space<vmem>>, vector<16xf32>,
      %mul3A_130 = vector.broadcast %squeeze3A : f32 to vector<16xf32>
      %mul3A_131 = arith.mulf %scan3A_94#6, %mul3A_130 : vector<16xf32>
      %swap3A_132 = arith.index_cast %rem3A_100 : i32 to index
      %swap3A_133 = arith.constant 96 : index
      %swap3A_134 = tpu.vector_load %arg11[%swap3A_132, %swap3A_133] {strides = array<i32>} : memref<16x300xf32, #tpu.memory_space<vmem>>, vector<16xf32>,
      tpu.vector_store %arg11[%swap3A_132, %swap3A_133], %mul3A_131 {strides = array<i32>} : memref<16x300xf32, #tpu.memory_space<vmem>>, vector<16xf32>,
      %mul3A_135 = vector.broadcast %squeeze3A : f32 to vector<16xf32>
      %mul3A_136 = arith.mulf %scan3A_94#7, %mul3A_135 : vector<16xf32>
      %swap3A_137 = arith.index_cast %rem3A_100 : i32 to index
      %swap3A_138 = arith.constant 112 : index
      %swap3A_139 = tpu.vector_load %arg11[%swap3A_137, %swap3A_138] {strides = array<i32>} : memref<16x300xf32, #tpu.memory_space<vmem>>, vector<16xf32>,
      tpu.vector_store %arg11[%swap3A_137, %swap3A_138], %mul3A_136 {strides = array<i32>} : memref<16x300xf32, #tpu.memory_space<vmem>>, vector<16xf32>,
      %mul3A_140 = vector.broadcast %squeeze3A : f32 to vector<16xf32>
      %mul3A_141 = arith.mulf %scan3A_94#8, %mul3A_140 : vector<16xf32>
      %swap3A_142 = arith.index_cast %rem3A_100 : i32 to index
      %swap3A_143 = arith.constant 128 : index
      %swap3A_144 = tpu.vector_load %arg11[%swap3A_142, %swap3A_143] {strides = array<i32>} : memref<16x300xf32, #tpu.memory_space<vmem>>, vector<16xf32>,
      tpu.vector_store %arg11[%swap3A_142, %swap3A_143], %mul3A_141 {strides = array<i32>} : memref<16x300xf32, #tpu.memory_space<vmem>>, vector<16xf32>,
      %mul3A_145 = vector.broadcast %squeeze3A : f32 to vector<16xf32>
      %mul3A_146 = arith.mulf %scan3A_94#9, %mul3A_145 : vector<16xf32>
      %swap3A_147 = arith.index_cast %rem3A_100 : i32 to index
      %swap3A_148 = arith.constant 144 : index
      %swap3A_149 = tpu.vector_load %arg11[%swap3A_147, %swap3A_148] {strides = array<i32>} : memref<16x300xf32, #tpu.memory_space<vmem>>, vector<16xf32>,
      tpu.vector_store %arg11[%swap3A_147, %swap3A_148], %mul3A_146 {strides = array<i32>} : memref<16x300xf32, #tpu.memory_space<vmem>>, vector<16xf32>,
      %mul3A_150 = vector.broadcast %squeeze3A : f32 to vector<16xf32>
      %mul3A_151 = arith.mulf %scan3A_94#10, %mul3A_150 : vector<16xf32>
      %swap3A_152 = arith.index_cast %rem3A_100 : i32 to index
      %swap3A_153 = arith.constant 160 : index
      %swap3A_154 = tpu.vector_load %arg11[%swap3A_152, %swap3A_153] {strides = array<i32>} : memref<16x300xf32, #tpu.memory_space<vmem>>, vector<16xf32>,
      tpu.vector_store %arg11[%swap3A_152, %swap3A_153], %mul3A_151 {strides = array<i32>} : memref<16x300xf32, #tpu.memory_space<vmem>>, vector<16xf32>,
      %mul3A_155 = vector.broadcast %squeeze3A : f32 to vector<16xf32>
      %mul3A_156 = arith.mulf %scan3A_94#11, %mul3A_155 : vector<16xf32>
      %swap3A_157 = arith.index_cast %rem3A_100 : i32 to index
      %swap3A_158 = arith.constant 176 : index
      %swap3A_159 = tpu.vector_load %arg11[%swap3A_157, %swap3A_158] {strides = array<i32>} : memref<16x300xf32, #tpu.memory_space<vmem>>, vector<16xf32>,
      tpu.vector_store %arg11[%swap3A_157, %swap3A_158], %mul3A_156 {strides = array<i32>} : memref<16x300xf32, #tpu.memory_space<vmem>>, vector<16xf32>,
      %mul3A_160 = vector.broadcast %squeeze3A : f32 to vector<16xf32>
      %mul3A_161 = arith.mulf %scan3A_94#12, %mul3A_160 : vector<16xf32>
      %swap3A_162 = arith.index_cast %rem3A_100 : i32 to index
      %swap3A_163 = arith.constant 192 : index
      %swap3A_164 = tpu.vector_load %arg11[%swap3A_162, %swap3A_163] {strides = array<i32>} : memref<16x300xf32, #tpu.memory_space<vmem>>, vector<16xf32>,
      tpu.vector_store %arg11[%swap3A_162, %swap3A_163], %mul3A_161 {strides = array<i32>} : memref<16x300xf32, #tpu.memory_space<vmem>>, vector<16xf32>,
      %mul3A_165 = vector.broadcast %squeeze3A : f32 to vector<16xf32>
      %mul3A_166 = arith.mulf %scan3A_94#13, %mul3A_165 : vector<16xf32>
      %swap3A_167 = arith.index_cast %rem3A_100 : i32 to index
      %swap3A_168 = arith.constant 208 : index
      %swap3A_169 = tpu.vector_load %arg11[%swap3A_167, %swap3A_168] {strides = array<i32>} : memref<16x300xf32, #tpu.memory_space<vmem>>, vector<16xf32>,
      tpu.vector_store %arg11[%swap3A_167, %swap3A_168], %mul3A_166 {strides = array<i32>} : memref<16x300xf32, #tpu.memory_space<vmem>>, vector<16xf32>,
      %mul3A_170 = vector.broadcast %squeeze3A : f32 to vector<16xf32>
      %mul3A_171 = arith.mulf %scan3A_94#14, %mul3A_170 : vector<16xf32>
      %swap3A_172 = arith.index_cast %rem3A_100 : i32 to index
      %swap3A_173 = arith.constant 224 : index
      %swap3A_174 = tpu.vector_load %arg11[%swap3A_172, %swap3A_173] {strides = array<i32>} : memref<16x300xf32, #tpu.memory_space<vmem>>, vector<16xf32>,
      tpu.vector_store %arg11[%swap3A_172, %swap3A_173], %mul3A_171 {strides = array<i32>} : memref<16x300xf32, #tpu.memory_space<vmem>>, vector<16xf32>,
      %mul3A_175 = vector.broadcast %squeeze3A : f32 to vector<16xf32>
      %mul3A_176 = arith.mulf %scan3A_94#15, %mul3A_175 : vector<16xf32>
      %swap3A_177 = arith.index_cast %rem3A_100 : i32 to index
      %swap3A_178 = arith.constant 240 : index
      %swap3A_179 = tpu.vector_load %arg11[%swap3A_177, %swap3A_178] {strides = array<i32>} : memref<16x300xf32, #tpu.memory_space<vmem>>, vector<16xf32>,
      tpu.vector_store %arg11[%swap3A_177, %swap3A_178], %mul3A_176 {strides = array<i32>} : memref<16x300xf32, #tpu.memory_space<vmem>>, vector<16xf32>,
      %mul3A_180 = vector.broadcast %squeeze3A : f32 to vector<16xf32>
      %mul3A_181 = arith.mulf %scan3A_94#16, %mul3A_180 : vector<16xf32>
      %swap3A_182 = arith.index_cast %rem3A_100 : i32 to index
      %swap3A_183 = arith.constant 256 : index
      %swap3A_184 = tpu.vector_load %arg11[%swap3A_182, %swap3A_183] {strides = array<i32>} : memref<16x300xf32, #tpu.memory_space<vmem>>, vector<16xf32>,
      tpu.vector_store %arg11[%swap3A_182, %swap3A_183], %mul3A_181 {strides = array<i32>} : memref<16x300xf32, #tpu.memory_space<vmem>>, vector<16xf32>,
      %mul3A_185 = vector.broadcast %squeeze3A : f32 to vector<16xf32>
      %mul3A_186 = arith.mulf %scan3A_94#17, %mul3A_185 : vector<16xf32>
      %swap3A_187 = arith.index_cast %rem3A_100 : i32 to index
      %swap3A_188 = arith.constant 272 : index
      %swap3A_189 = tpu.vector_load %arg11[%swap3A_187, %swap3A_188] {strides = array<i32>} : memref<16x300xf32, #tpu.memory_space<vmem>>, vector<16xf32>,
      tpu.vector_store %arg11[%swap3A_187, %swap3A_188], %mul3A_186 {strides = array<i32>} : memref<16x300xf32, #tpu.memory_space<vmem>>, vector<16xf32>,
      %mul3A_190 = vector.broadcast %squeeze3A : f32 to vector<16xf32>
      %mul3A_191 = arith.mulf %scan3A_94#18, %mul3A_190 : vector<16xf32>
      %swap3A_192 = arith.index_cast %rem3A_100 : i32 to index
      %swap3A_193 = arith.constant 284 : index
      %swap3A_194 = tpu.vector_load %arg11[%swap3A_192, %swap3A_193] {strides = array<i32>} : memref<16x300xf32, #tpu.memory_space<vmem>>, vector<16xf32>,
      tpu.vector_store %arg11[%swap3A_192, %swap3A_193], %mul3A_191 {strides = array<i32>} : memref<16x300xf32, #tpu.memory_space<vmem>>, vector<16xf32>,
      %eq3A = arith.constant 15 : i32
      %eq3A_195 = arith.cmpi eq, %rem3A_100, %eq3A : i32
      %convert_element_type3A_196 = arith.extui %eq3A_195 : i1 to i32
      %cond3A_197 = arith.constant 0 : i32
      %cond3A_198 = arith.cmpi ne, %convert_element_type3A_196, %cond3A_197 : i32
      scf.if %cond3A_198 {
        %add3A_362 = arith.addi %mul3A_3, %add3A_47 : i32
        %sub3A = arith.constant 15 : i32
        %sub3A_363 = arith.subi %add3A_362, %sub3A : i32
        %multiple_of3A_364 = tpu.assume_multiple %sub3A_363, 8 : i32
        "tpu.region"() ({
          %run_scoped3A = tpu.sem_alloc : memref<!tpu.dma_semaphore, #tpu.memory_space<semaphore_mem>>
          %dma_start3A_365 = arith.constant 0 : i32
          %dma_start3A_366 = tpu.memref_slice %arg6[%multiple_of3A_364, %dma_start3A_365] : memref<4096x300xf32, #tpu.memory_space<hbm>> -> memref<16x300xf32, #tpu.memory_space<hbm>>
          %dma_start3A_367 = arith.constant 0 : i32
          %dma_start3A_368 = tpu.memref_slice %arg6[%multiple_of3A_364, %dma_start3A_367] : memref<4096x300xf32, #tpu.memory_space<hbm>> -> memref<16x300xf32, #tpu.memory_space<hbm>>
          tpu.enqueue_dma source(%arg11 : memref<16x300xf32, #tpu.memory_space<vmem>>) target(%dma_start3A_368 : memref<16x300xf32, #tpu.memory_space<hbm>>) target_semaphore(%run_scoped3A : memref<!tpu.dma_semaphore, #tpu.memory_space<semaphore_mem>>)
          %dma_wait3A_369 = arith.constant 0 : i32
          %dma_wait3A_370 = tpu.memref_slice %arg6[%multiple_of3A_364, %dma_wait3A_369] : memref<4096x300xf32, #tpu.memory_space<hbm>> -> memref<16x300xf32, #tpu.memory_space<hbm>>
          %dma_wait3A_371 = arith.constant 0 : i32
          %dma_wait3A_372 = tpu.memref_slice %arg6[%multiple_of3A_364, %dma_wait3A_371] : memref<4096x300xf32, #tpu.memory_space<hbm>> -> memref<16x300xf32, #tpu.memory_space<hbm>>
          tpu.wait_dma2 semaphore(%run_scoped3A : memref<!tpu.dma_semaphore, #tpu.memory_space<semaphore_mem>>) src(%arg11 : memref<16x300xf32, #tpu.memory_space<vmem>>) dst(%dma_wait3A_372 : memref<16x300xf32, #tpu.memory_space<hbm>>)
          tpu.yield
        }) : () -> ()
      } else {
      }
      %mul3A_199 = arith.constant 2 : i32
      %mul3A_200 = arith.muli %scan3A_43, %mul3A_199 : i32
      %add3A_201 = arith.constant 1 : i32
      %add3A_202 = arith.addi %mul3A_200, %add3A_201 : i32
      %dma_wait3A_203 = arith.constant 0 : i32
      %dma_wait3A_204 = tpu.memref_slice %arg8[%add3A_202, %dma_wait3A_203] : memref<128x50xi32, #tpu.memory_space<vmem>> -> memref<1x50xi32, #tpu.memory_space<vmem>>
      %dma_wait3A_205 = tpu.memref_squeeze %dma_wait3A_204 : memref<1x50xi32, #tpu.memory_space<vmem>> -> memref<50xi32, #tpu.memory_space<vmem>>
      %dma_wait3A_206 = arith.constant 0 : i32
      %dma_wait3A_207 = arith.constant 0 : i32
      %dma_wait3A_208 = tpu.memref_slice %arg4[%dma_wait3A_206, %dma_wait3A_207] : memref<400000x304xf32, #tpu.memory_space<hbm>> -> memref<400000x304xf32, #tpu.memory_space<hbm>>
      tpu.wait_indirect_dma semaphore(%arg13 : memref<!tpu.dma_semaphore, #tpu.memory_space<semaphore_mem>>) src(%dma_wait3A_208 : memref<400000x304xf32, #tpu.memory_space<hbm>>) dst(%arg10 : memref<50x304xf32, #tpu.memory_space<vmem>>)
      %broadcast_in_dim3A_209 = arith.constant 0.000000e+00 : f32
      %broadcast_in_dim3A_210 = vector.broadcast %broadcast_in_dim3A_209 : f32 to vector<16xf32>
      %broadcast_in_dim3A_211 = arith.constant 0.000000e+00 : f32
      %broadcast_in_dim3A_212 = vector.broadcast %broadcast_in_dim3A_211 : f32 to vector<16xf32>
      %broadcast_in_dim3A_213 = arith.constant 0.000000e+00 : f32
      %broadcast_in_dim3A_214 = vector.broadcast %broadcast_in_dim3A_213 : f32 to vector<16xf32>
      %broadcast_in_dim3A_215 = arith.constant 0.000000e+00 : f32
      %broadcast_in_dim3A_216 = vector.broadcast %broadcast_in_dim3A_215 : f32 to vector<16xf32>
      %broadcast_in_dim3A_217 = arith.constant 0.000000e+00 : f32
      %broadcast_in_dim3A_218 = vector.broadcast %broadcast_in_dim3A_217 : f32 to vector<16xf32>
      %broadcast_in_dim3A_219 = arith.constant 0.000000e+00 : f32
      %broadcast_in_dim3A_220 = vector.broadcast %broadcast_in_dim3A_219 : f32 to vector<16xf32>
      %broadcast_in_dim3A_221 = arith.constant 0.000000e+00 : f32
      %broadcast_in_dim3A_222 = vector.broadcast %broadcast_in_dim3A_221 : f32 to vector<16xf32>
      %broadcast_in_dim3A_223 = arith.constant 0.000000e+00 : f32
      %broadcast_in_dim3A_224 = vector.broadcast %broadcast_in_dim3A_223 : f32 to vector<16xf32>
      %broadcast_in_dim3A_225 = arith.constant 0.000000e+00 : f32
      %broadcast_in_dim3A_226 = vector.broadcast %broadcast_in_dim3A_225 : f32 to vector<16xf32>
      %broadcast_in_dim3A_227 = arith.constant 0.000000e+00 : f32
      %broadcast_in_dim3A_228 = vector.broadcast %broadcast_in_dim3A_227 : f32 to vector<16xf32>
      %broadcast_in_dim3A_229 = arith.constant 0.000000e+00 : f32
      %broadcast_in_dim3A_230 = vector.broadcast %broadcast_in_dim3A_229 : f32 to vector<16xf32>
      %broadcast_in_dim3A_231 = arith.constant 0.000000e+00 : f32
      %broadcast_in_dim3A_232 = vector.broadcast %broadcast_in_dim3A_231 : f32 to vector<16xf32>
      %broadcast_in_dim3A_233 = arith.constant 0.000000e+00 : f32
      %broadcast_in_dim3A_234 = vector.broadcast %broadcast_in_dim3A_233 : f32 to vector<16xf32>
      %broadcast_in_dim3A_235 = arith.constant 0.000000e+00 : f32
      %broadcast_in_dim3A_236 = vector.broadcast %broadcast_in_dim3A_235 : f32 to vector<16xf32>
      %broadcast_in_dim3A_237 = arith.constant 0.000000e+00 : f32
      %broadcast_in_dim3A_238 = vector.broadcast %broadcast_in_dim3A_237 : f32 to vector<16xf32>
      %broadcast_in_dim3A_239 = arith.constant 0.000000e+00 : f32
      %broadcast_in_dim3A_240 = vector.broadcast %broadcast_in_dim3A_239 : f32 to vector<16xf32>
      %broadcast_in_dim3A_241 = arith.constant 0.000000e+00 : f32
      %broadcast_in_dim3A_242 = vector.broadcast %broadcast_in_dim3A_241 : f32 to vector<16xf32>
      %broadcast_in_dim3A_243 = arith.constant 0.000000e+00 : f32
      %broadcast_in_dim3A_244 = vector.broadcast %broadcast_in_dim3A_243 : f32 to vector<16xf32>
      %broadcast_in_dim3A_245 = arith.constant 0.000000e+00 : f32
      %broadcast_in_dim3A_246 = vector.broadcast %broadcast_in_dim3A_245 : f32 to vector<16xf32>
      %scan3A_247 = arith.constant 0 : i32
      %scan3A_248 = arith.constant 50 : i32
      %scan3A_249 = arith.addi %scan3A_247, %scan3A_248 : i32
      %scan3A_250 = arith.constant 1 : i32
      %scan3A_251:19 = scf.for %scan3A_362 = %scan3A_247 to %scan3A_249 step %scan3A_250 iter_args(%scan3A_363 = %broadcast_in_dim3A_210, %scan3A_364 = %broadcast_in_dim3A_212, %scan3A_365 = %broadcast_in_dim3A_214, %scan3A_366 = %broadcast_in_dim3A_216, %scan3A_367 = %broadcast_in_dim3A_218, %scan3A_368 = %broadcast_in_dim3A_220, %scan3A_369 = %broadcast_in_dim3A_222, %scan3A_370 = %broadcast_in_dim3A_224, %scan3A_371 = %broadcast_in_dim3A_226, %scan3A_372 = %broadcast_in_dim3A_228, %scan3A_373 = %broadcast_in_dim3A_230, %scan3A_374 = %broadcast_in_dim3A_232, %scan3A_375 = %broadcast_in_dim3A_234, %scan3A_376 = %broadcast_in_dim3A_236, %scan3A_377 = %broadcast_in_dim3A_238, %scan3A_378 = %broadcast_in_dim3A_240, %scan3A_379 = %broadcast_in_dim3A_242, %scan3A_380 = %broadcast_in_dim3A_244, %scan3A_381 = %broadcast_in_dim3A_246) -> (vector<16xf32>, vector<16xf32>, vector<16xf32>, vector<16xf32>, vector<16xf32>, vector<16xf32>, vector<16xf32>, vector<16xf32>, vector<16xf32>, vector<16xf32>, vector<16xf32>, vector<16xf32>, vector<16xf32>, vector<16xf32>, vector<16xf32>, vector<16xf32>, vector<16xf32>, vector<16xf32>, vector<16xf32>)  : i32 {
        %get3A_382 = arith.index_cast %scan3A_362 : i32 to index
        %get3A_383 = arith.constant 0 : index
        %get3A_384 = tpu.vector_load %arg10[%get3A_382, %get3A_383] {strides = array<i32>} : memref<50x304xf32, #tpu.memory_space<vmem>>, vector<16xf32>,
        %add3A_385 = arith.addf %scan3A_363, %get3A_384 : vector<16xf32>
        %get3A_386 = arith.index_cast %scan3A_362 : i32 to index
        %get3A_387 = arith.constant 16 : index
        %get3A_388 = tpu.vector_load %arg10[%get3A_386, %get3A_387] {strides = array<i32>} : memref<50x304xf32, #tpu.memory_space<vmem>>, vector<16xf32>,
        %add3A_389 = arith.addf %scan3A_364, %get3A_388 : vector<16xf32>
        %get3A_390 = arith.index_cast %scan3A_362 : i32 to index
        %get3A_391 = arith.constant 32 : index
        %get3A_392 = tpu.vector_load %arg10[%get3A_390, %get3A_391] {strides = array<i32>} : memref<50x304xf32, #tpu.memory_space<vmem>>, vector<16xf32>,
        %add3A_393 = arith.addf %scan3A_365, %get3A_392 : vector<16xf32>
        %get3A_394 = arith.index_cast %scan3A_362 : i32 to index
        %get3A_395 = arith.constant 48 : index
        %get3A_396 = tpu.vector_load %arg10[%get3A_394, %get3A_395] {strides = array<i32>} : memref<50x304xf32, #tpu.memory_space<vmem>>, vector<16xf32>,
        %add3A_397 = arith.addf %scan3A_366, %get3A_396 : vector<16xf32>
        %get3A_398 = arith.index_cast %scan3A_362 : i32 to index
        %get3A_399 = arith.constant 64 : index
        %get3A_400 = tpu.vector_load %arg10[%get3A_398, %get3A_399] {strides = array<i32>} : memref<50x304xf32, #tpu.memory_space<vmem>>, vector<16xf32>,
        %add3A_401 = arith.addf %scan3A_367, %get3A_400 : vector<16xf32>
        %get3A_402 = arith.index_cast %scan3A_362 : i32 to index
        %get3A_403 = arith.constant 80 : index
        %get3A_404 = tpu.vector_load %arg10[%get3A_402, %get3A_403] {strides = array<i32>} : memref<50x304xf32, #tpu.memory_space<vmem>>, vector<16xf32>,
        %add3A_405 = arith.addf %scan3A_368, %get3A_404 : vector<16xf32>
        %get3A_406 = arith.index_cast %scan3A_362 : i32 to index
        %get3A_407 = arith.constant 96 : index
        %get3A_408 = tpu.vector_load %arg10[%get3A_406, %get3A_407] {strides = array<i32>} : memref<50x304xf32, #tpu.memory_space<vmem>>, vector<16xf32>,
        %add3A_409 = arith.addf %scan3A_369, %get3A_408 : vector<16xf32>
        %get3A_410 = arith.index_cast %scan3A_362 : i32 to index
        %get3A_411 = arith.constant 112 : index
        %get3A_412 = tpu.vector_load %arg10[%get3A_410, %get3A_411] {strides = array<i32>} : memref<50x304xf32, #tpu.memory_space<vmem>>, vector<16xf32>,
        %add3A_413 = arith.addf %scan3A_370, %get3A_412 : vector<16xf32>
        %get3A_414 = arith.index_cast %scan3A_362 : i32 to index
        %get3A_415 = arith.constant 128 : index
        %get3A_416 = tpu.vector_load %arg10[%get3A_414, %get3A_415] {strides = array<i32>} : memref<50x304xf32, #tpu.memory_space<vmem>>, vector<16xf32>,
        %add3A_417 = arith.addf %scan3A_371, %get3A_416 : vector<16xf32>
        %get3A_418 = arith.index_cast %scan3A_362 : i32 to index
        %get3A_419 = arith.constant 144 : index
        %get3A_420 = tpu.vector_load %arg10[%get3A_418, %get3A_419] {strides = array<i32>} : memref<50x304xf32, #tpu.memory_space<vmem>>, vector<16xf32>,
        %add3A_421 = arith.addf %scan3A_372, %get3A_420 : vector<16xf32>
        %get3A_422 = arith.index_cast %scan3A_362 : i32 to index
        %get3A_423 = arith.constant 160 : index
        %get3A_424 = tpu.vector_load %arg10[%get3A_422, %get3A_423] {strides = array<i32>} : memref<50x304xf32, #tpu.memory_space<vmem>>, vector<16xf32>,
        %add3A_425 = arith.addf %scan3A_373, %get3A_424 : vector<16xf32>
        %get3A_426 = arith.index_cast %scan3A_362 : i32 to index
        %get3A_427 = arith.constant 176 : index
        %get3A_428 = tpu.vector_load %arg10[%get3A_426, %get3A_427] {strides = array<i32>} : memref<50x304xf32, #tpu.memory_space<vmem>>, vector<16xf32>,
        %add3A_429 = arith.addf %scan3A_374, %get3A_428 : vector<16xf32>
        %get3A_430 = arith.index_cast %scan3A_362 : i32 to index
        %get3A_431 = arith.constant 192 : index
        %get3A_432 = tpu.vector_load %arg10[%get3A_430, %get3A_431] {strides = array<i32>} : memref<50x304xf32, #tpu.memory_space<vmem>>, vector<16xf32>,
        %add3A_433 = arith.addf %scan3A_375, %get3A_432 : vector<16xf32>
        %get3A_434 = arith.index_cast %scan3A_362 : i32 to index
        %get3A_435 = arith.constant 208 : index
        %get3A_436 = tpu.vector_load %arg10[%get3A_434, %get3A_435] {strides = array<i32>} : memref<50x304xf32, #tpu.memory_space<vmem>>, vector<16xf32>,
        %add3A_437 = arith.addf %scan3A_376, %get3A_436 : vector<16xf32>
        %get3A_438 = arith.index_cast %scan3A_362 : i32 to index
        %get3A_439 = arith.constant 224 : index
        %get3A_440 = tpu.vector_load %arg10[%get3A_438, %get3A_439] {strides = array<i32>} : memref<50x304xf32, #tpu.memory_space<vmem>>, vector<16xf32>,
        %add3A_441 = arith.addf %scan3A_377, %get3A_440 : vector<16xf32>
        %get3A_442 = arith.index_cast %scan3A_362 : i32 to index
        %get3A_443 = arith.constant 240 : index
        %get3A_444 = tpu.vector_load %arg10[%get3A_442, %get3A_443] {strides = array<i32>} : memref<50x304xf32, #tpu.memory_space<vmem>>, vector<16xf32>,
        %add3A_445 = arith.addf %scan3A_378, %get3A_444 : vector<16xf32>
        %get3A_446 = arith.index_cast %scan3A_362 : i32 to index
        %get3A_447 = arith.constant 256 : index
        %get3A_448 = tpu.vector_load %arg10[%get3A_446, %get3A_447] {strides = array<i32>} : memref<50x304xf32, #tpu.memory_space<vmem>>, vector<16xf32>,
        %add3A_449 = arith.addf %scan3A_379, %get3A_448 : vector<16xf32>
        %get3A_450 = arith.index_cast %scan3A_362 : i32 to index
        %get3A_451 = arith.constant 272 : index
        %get3A_452 = tpu.vector_load %arg10[%get3A_450, %get3A_451] {strides = array<i32>} : memref<50x304xf32, #tpu.memory_space<vmem>>, vector<16xf32>,
        %add3A_453 = arith.addf %scan3A_380, %get3A_452 : vector<16xf32>
        %get3A_454 = arith.index_cast %scan3A_362 : i32 to index
        %get3A_455 = arith.constant 284 : index
        %get3A_456 = tpu.vector_load %arg10[%get3A_454, %get3A_455] {strides = array<i32>} : memref<50x304xf32, #tpu.memory_space<vmem>>, vector<16xf32>,
        %add3A_457 = arith.addf %scan3A_381, %get3A_456 : vector<16xf32>
        scf.yield %add3A_385, %add3A_389, %add3A_393, %add3A_397, %add3A_401, %add3A_405, %add3A_409, %add3A_413, %add3A_417, %add3A_421, %add3A_425, %add3A_429, %add3A_433, %add3A_437, %add3A_441, %add3A_445, %add3A_449, %add3A_453, %add3A_457 : vector<16xf32>, vector<16xf32>, vector<16xf32>, vector<16xf32>, vector<16xf32>, vector<16xf32>, vector<16xf32>, vector<16xf32>, vector<16xf32>, vector<16xf32>, vector<16xf32>, vector<16xf32>, vector<16xf32>, vector<16xf32>, vector<16xf32>, vector<16xf32>, vector<16xf32>, vector<16xf32>, vector<16xf32>
      }
      %scan3A_252 = arith.constant 50 : i32
      %add3A_253 = arith.constant 2 : i32
      %add3A_254 = arith.addi %add3A_202, %add3A_253 : i32
      %lt3A_255 = arith.constant 128 : i32
      %lt3A_256 = arith.cmpi slt, %add3A_254, %lt3A_255 : i32
      %convert_element_type3A_257 = arith.extui %lt3A_256 : i1 to i32
      %cond3A_258 = arith.constant 0 : i32
      %cond3A_259 = arith.cmpi ne, %convert_element_type3A_257, %cond3A_258 : i32
      scf.if %cond3A_259 {
        %add3A_362 = arith.constant 2 : i32
        %add3A_363 = arith.addi %add3A_202, %add3A_362 : i32
        %dma_start3A_364 = arith.constant 0 : i32
        %dma_start3A_365 = tpu.memref_slice %arg8[%add3A_363, %dma_start3A_364] : memref<128x50xi32, #tpu.memory_space<vmem>> -> memref<1x50xi32, #tpu.memory_space<vmem>>
        %dma_start3A_366 = tpu.memref_squeeze %dma_start3A_365 : memref<1x50xi32, #tpu.memory_space<vmem>> -> memref<50xi32, #tpu.memory_space<vmem>>
        %dma_start3A_367 = arith.constant 0 : i32
        %dma_start3A_368 = arith.constant 0 : i32
        %dma_start3A_369 = tpu.memref_slice %arg4[%dma_start3A_367, %dma_start3A_368] : memref<400000x304xf32, #tpu.memory_space<hbm>> -> memref<400000x304xf32, #tpu.memory_space<hbm>>
        tpu.enqueue_indirect_dma source(%dma_start3A_369 : memref<400000x304xf32, #tpu.memory_space<hbm>>) target(%arg10 : memref<50x304xf32, #tpu.memory_space<vmem>>) offsets(%dma_start3A_366 : memref<50xi32, #tpu.memory_space<vmem>>) semaphore(%arg13 : memref<!tpu.dma_semaphore, #tpu.memory_space<semaphore_mem>>)
      } else {
      }
      %rem3A_260 = arith.constant 16 : i32
      %rem3A_261 = arith.remsi %add3A_202, %rem3A_260 : i32
      %mul3A_262 = vector.broadcast %squeeze3A : f32 to vector<16xf32>
      %mul3A_263 = arith.mulf %scan3A_251#0, %mul3A_262 : vector<16xf32>
      %swap3A_264 = arith.index_cast %rem3A_261 : i32 to index
      %swap3A_265 = arith.constant 0 : index
      %swap3A_266 = tpu.vector_load %arg11[%swap3A_264, %swap3A_265] {strides = array<i32>} : memref<16x300xf32, #tpu.memory_space<vmem>>, vector<16xf32>,
      tpu.vector_store %arg11[%swap3A_264, %swap3A_265], %mul3A_263 {strides = array<i32>} : memref<16x300xf32, #tpu.memory_space<vmem>>, vector<16xf32>,
      %mul3A_267 = vector.broadcast %squeeze3A : f32 to vector<16xf32>
      %mul3A_268 = arith.mulf %scan3A_251#1, %mul3A_267 : vector<16xf32>
      %swap3A_269 = arith.index_cast %rem3A_261 : i32 to index
      %swap3A_270 = arith.constant 16 : index
      %swap3A_271 = tpu.vector_load %arg11[%swap3A_269, %swap3A_270] {strides = array<i32>} : memref<16x300xf32, #tpu.memory_space<vmem>>, vector<16xf32>,
      tpu.vector_store %arg11[%swap3A_269, %swap3A_270], %mul3A_268 {strides = array<i32>} : memref<16x300xf32, #tpu.memory_space<vmem>>, vector<16xf32>,
      %mul3A_272 = vector.broadcast %squeeze3A : f32 to vector<16xf32>
      %mul3A_273 = arith.mulf %scan3A_251#2, %mul3A_272 : vector<16xf32>
      %swap3A_274 = arith.index_cast %rem3A_261 : i32 to index
      %swap3A_275 = arith.constant 32 : index
      %swap3A_276 = tpu.vector_load %arg11[%swap3A_274, %swap3A_275] {strides = array<i32>} : memref<16x300xf32, #tpu.memory_space<vmem>>, vector<16xf32>,
      tpu.vector_store %arg11[%swap3A_274, %swap3A_275], %mul3A_273 {strides = array<i32>} : memref<16x300xf32, #tpu.memory_space<vmem>>, vector<16xf32>,
      %mul3A_277 = vector.broadcast %squeeze3A : f32 to vector<16xf32>
      %mul3A_278 = arith.mulf %scan3A_251#3, %mul3A_277 : vector<16xf32>
      %swap3A_279 = arith.index_cast %rem3A_261 : i32 to index
      %swap3A_280 = arith.constant 48 : index
      %swap3A_281 = tpu.vector_load %arg11[%swap3A_279, %swap3A_280] {strides = array<i32>} : memref<16x300xf32, #tpu.memory_space<vmem>>, vector<16xf32>,
      tpu.vector_store %arg11[%swap3A_279, %swap3A_280], %mul3A_278 {strides = array<i32>} : memref<16x300xf32, #tpu.memory_space<vmem>>, vector<16xf32>,
      %mul3A_282 = vector.broadcast %squeeze3A : f32 to vector<16xf32>
      %mul3A_283 = arith.mulf %scan3A_251#4, %mul3A_282 : vector<16xf32>
      %swap3A_284 = arith.index_cast %rem3A_261 : i32 to index
      %swap3A_285 = arith.constant 64 : index
      %swap3A_286 = tpu.vector_load %arg11[%swap3A_284, %swap3A_285] {strides = array<i32>} : memref<16x300xf32, #tpu.memory_space<vmem>>, vector<16xf32>,
      tpu.vector_store %arg11[%swap3A_284, %swap3A_285], %mul3A_283 {strides = array<i32>} : memref<16x300xf32, #tpu.memory_space<vmem>>, vector<16xf32>,
      %mul3A_287 = vector.broadcast %squeeze3A : f32 to vector<16xf32>
      %mul3A_288 = arith.mulf %scan3A_251#5, %mul3A_287 : vector<16xf32>
      %swap3A_289 = arith.index_cast %rem3A_261 : i32 to index
      %swap3A_290 = arith.constant 80 : index
      %swap3A_291 = tpu.vector_load %arg11[%swap3A_289, %swap3A_290] {strides = array<i32>} : memref<16x300xf32, #tpu.memory_space<vmem>>, vector<16xf32>,
      tpu.vector_store %arg11[%swap3A_289, %swap3A_290], %mul3A_288 {strides = array<i32>} : memref<16x300xf32, #tpu.memory_space<vmem>>, vector<16xf32>,
      %mul3A_292 = vector.broadcast %squeeze3A : f32 to vector<16xf32>
      %mul3A_293 = arith.mulf %scan3A_251#6, %mul3A_292 : vector<16xf32>
      %swap3A_294 = arith.index_cast %rem3A_261 : i32 to index
      %swap3A_295 = arith.constant 96 : index
      %swap3A_296 = tpu.vector_load %arg11[%swap3A_294, %swap3A_295] {strides = array<i32>} : memref<16x300xf32, #tpu.memory_space<vmem>>, vector<16xf32>,
      tpu.vector_store %arg11[%swap3A_294, %swap3A_295], %mul3A_293 {strides = array<i32>} : memref<16x300xf32, #tpu.memory_space<vmem>>, vector<16xf32>,
      %mul3A_297 = vector.broadcast %squeeze3A : f32 to vector<16xf32>
      %mul3A_298 = arith.mulf %scan3A_251#7, %mul3A_297 : vector<16xf32>
      %swap3A_299 = arith.index_cast %rem3A_261 : i32 to index
      %swap3A_300 = arith.constant 112 : index
      %swap3A_301 = tpu.vector_load %arg11[%swap3A_299, %swap3A_300] {strides = array<i32>} : memref<16x300xf32, #tpu.memory_space<vmem>>, vector<16xf32>,
      tpu.vector_store %arg11[%swap3A_299, %swap3A_300], %mul3A_298 {strides = array<i32>} : memref<16x300xf32, #tpu.memory_space<vmem>>, vector<16xf32>,
      %mul3A_302 = vector.broadcast %squeeze3A : f32 to vector<16xf32>
      %mul3A_303 = arith.mulf %scan3A_251#8, %mul3A_302 : vector<16xf32>
      %swap3A_304 = arith.index_cast %rem3A_261 : i32 to index
      %swap3A_305 = arith.constant 128 : index
      %swap3A_306 = tpu.vector_load %arg11[%swap3A_304, %swap3A_305] {strides = array<i32>} : memref<16x300xf32, #tpu.memory_space<vmem>>, vector<16xf32>,
      tpu.vector_store %arg11[%swap3A_304, %swap3A_305], %mul3A_303 {strides = array<i32>} : memref<16x300xf32, #tpu.memory_space<vmem>>, vector<16xf32>,
      %mul3A_307 = vector.broadcast %squeeze3A : f32 to vector<16xf32>
      %mul3A_308 = arith.mulf %scan3A_251#9, %mul3A_307 : vector<16xf32>
      %swap3A_309 = arith.index_cast %rem3A_261 : i32 to index
      %swap3A_310 = arith.constant 144 : index
      %swap3A_311 = tpu.vector_load %arg11[%swap3A_309, %swap3A_310] {strides = array<i32>} : memref<16x300xf32, #tpu.memory_space<vmem>>, vector<16xf32>,
      tpu.vector_store %arg11[%swap3A_309, %swap3A_310], %mul3A_308 {strides = array<i32>} : memref<16x300xf32, #tpu.memory_space<vmem>>, vector<16xf32>,
      %mul3A_312 = vector.broadcast %squeeze3A : f32 to vector<16xf32>
      %mul3A_313 = arith.mulf %scan3A_251#10, %mul3A_312 : vector<16xf32>
      %swap3A_314 = arith.index_cast %rem3A_261 : i32 to index
      %swap3A_315 = arith.constant 160 : index
      %swap3A_316 = tpu.vector_load %arg11[%swap3A_314, %swap3A_315] {strides = array<i32>} : memref<16x300xf32, #tpu.memory_space<vmem>>, vector<16xf32>,
      tpu.vector_store %arg11[%swap3A_314, %swap3A_315], %mul3A_313 {strides = array<i32>} : memref<16x300xf32, #tpu.memory_space<vmem>>, vector<16xf32>,
      %mul3A_317 = vector.broadcast %squeeze3A : f32 to vector<16xf32>
      %mul3A_318 = arith.mulf %scan3A_251#11, %mul3A_317 : vector<16xf32>
      %swap3A_319 = arith.index_cast %rem3A_261 : i32 to index
      %swap3A_320 = arith.constant 176 : index
      %swap3A_321 = tpu.vector_load %arg11[%swap3A_319, %swap3A_320] {strides = array<i32>} : memref<16x300xf32, #tpu.memory_space<vmem>>, vector<16xf32>,
      tpu.vector_store %arg11[%swap3A_319, %swap3A_320], %mul3A_318 {strides = array<i32>} : memref<16x300xf32, #tpu.memory_space<vmem>>, vector<16xf32>,
      %mul3A_322 = vector.broadcast %squeeze3A : f32 to vector<16xf32>
      %mul3A_323 = arith.mulf %scan3A_251#12, %mul3A_322 : vector<16xf32>
      %swap3A_324 = arith.index_cast %rem3A_261 : i32 to index
      %swap3A_325 = arith.constant 192 : index
      %swap3A_326 = tpu.vector_load %arg11[%swap3A_324, %swap3A_325] {strides = array<i32>} : memref<16x300xf32, #tpu.memory_space<vmem>>, vector<16xf32>,
      tpu.vector_store %arg11[%swap3A_324, %swap3A_325], %mul3A_323 {strides = array<i32>} : memref<16x300xf32, #tpu.memory_space<vmem>>, vector<16xf32>,
      %mul3A_327 = vector.broadcast %squeeze3A : f32 to vector<16xf32>
      %mul3A_328 = arith.mulf %scan3A_251#13, %mul3A_327 : vector<16xf32>
      %swap3A_329 = arith.index_cast %rem3A_261 : i32 to index
      %swap3A_330 = arith.constant 208 : index
      %swap3A_331 = tpu.vector_load %arg11[%swap3A_329, %swap3A_330] {strides = array<i32>} : memref<16x300xf32, #tpu.memory_space<vmem>>, vector<16xf32>,
      tpu.vector_store %arg11[%swap3A_329, %swap3A_330], %mul3A_328 {strides = array<i32>} : memref<16x300xf32, #tpu.memory_space<vmem>>, vector<16xf32>,
      %mul3A_332 = vector.broadcast %squeeze3A : f32 to vector<16xf32>
      %mul3A_333 = arith.mulf %scan3A_251#14, %mul3A_332 : vector<16xf32>
      %swap3A_334 = arith.index_cast %rem3A_261 : i32 to index
      %swap3A_335 = arith.constant 224 : index
      %swap3A_336 = tpu.vector_load %arg11[%swap3A_334, %swap3A_335] {strides = array<i32>} : memref<16x300xf32, #tpu.memory_space<vmem>>, vector<16xf32>,
      tpu.vector_store %arg11[%swap3A_334, %swap3A_335], %mul3A_333 {strides = array<i32>} : memref<16x300xf32, #tpu.memory_space<vmem>>, vector<16xf32>,
      %mul3A_337 = vector.broadcast %squeeze3A : f32 to vector<16xf32>
      %mul3A_338 = arith.mulf %scan3A_251#15, %mul3A_337 : vector<16xf32>
      %swap3A_339 = arith.index_cast %rem3A_261 : i32 to index
      %swap3A_340 = arith.constant 240 : index
      %swap3A_341 = tpu.vector_load %arg11[%swap3A_339, %swap3A_340] {strides = array<i32>} : memref<16x300xf32, #tpu.memory_space<vmem>>, vector<16xf32>,
      tpu.vector_store %arg11[%swap3A_339, %swap3A_340], %mul3A_338 {strides = array<i32>} : memref<16x300xf32, #tpu.memory_space<vmem>>, vector<16xf32>,
      %mul3A_342 = vector.broadcast %squeeze3A : f32 to vector<16xf32>
      %mul3A_343 = arith.mulf %scan3A_251#16, %mul3A_342 : vector<16xf32>
      %swap3A_344 = arith.index_cast %rem3A_261 : i32 to index
      %swap3A_345 = arith.constant 256 : index
      %swap3A_346 = tpu.vector_load %arg11[%swap3A_344, %swap3A_345] {strides = array<i32>} : memref<16x300xf32, #tpu.memory_space<vmem>>, vector<16xf32>,
      tpu.vector_store %arg11[%swap3A_344, %swap3A_345], %mul3A_343 {strides = array<i32>} : memref<16x300xf32, #tpu.memory_space<vmem>>, vector<16xf32>,
      %mul3A_347 = vector.broadcast %squeeze3A : f32 to vector<16xf32>
      %mul3A_348 = arith.mulf %scan3A_251#17, %mul3A_347 : vector<16xf32>
      %swap3A_349 = arith.index_cast %rem3A_261 : i32 to index
      %swap3A_350 = arith.constant 272 : index
      %swap3A_351 = tpu.vector_load %arg11[%swap3A_349, %swap3A_350] {strides = array<i32>} : memref<16x300xf32, #tpu.memory_space<vmem>>, vector<16xf32>,
      tpu.vector_store %arg11[%swap3A_349, %swap3A_350], %mul3A_348 {strides = array<i32>} : memref<16x300xf32, #tpu.memory_space<vmem>>, vector<16xf32>,
      %mul3A_352 = vector.broadcast %squeeze3A : f32 to vector<16xf32>
      %mul3A_353 = arith.mulf %scan3A_251#18, %mul3A_352 : vector<16xf32>
      %swap3A_354 = arith.index_cast %rem3A_261 : i32 to index
      %swap3A_355 = arith.constant 284 : index
      %swap3A_356 = tpu.vector_load %arg11[%swap3A_354, %swap3A_355] {strides = array<i32>} : memref<16x300xf32, #tpu.memory_space<vmem>>, vector<16xf32>,
      tpu.vector_store %arg11[%swap3A_354, %swap3A_355], %mul3A_353 {strides = array<i32>} : memref<16x300xf32, #tpu.memory_space<vmem>>, vector<16xf32>,
      %eq3A_357 = arith.constant 15 : i32
      %eq3A_358 = arith.cmpi eq, %rem3A_261, %eq3A_357 : i32
      %convert_element_type3A_359 = arith.extui %eq3A_358 : i1 to i32
      %cond3A_360 = arith.constant 0 : i32
      %cond3A_361 = arith.cmpi ne, %convert_element_type3A_359, %cond3A_360 : i32
      scf.if %cond3A_361 {
        %add3A_362 = arith.addi %mul3A_3, %add3A_202 : i32
        %sub3A = arith.constant 15 : i32
        %sub3A_363 = arith.subi %add3A_362, %sub3A : i32
        %multiple_of3A_364 = tpu.assume_multiple %sub3A_363, 8 : i32
        "tpu.region"() ({
          %run_scoped3A = tpu.sem_alloc : memref<!tpu.dma_semaphore, #tpu.memory_space<semaphore_mem>>
          %dma_start3A_365 = arith.constant 0 : i32
          %dma_start3A_366 = tpu.memref_slice %arg6[%multiple_of3A_364, %dma_start3A_365] : memref<4096x300xf32, #tpu.memory_space<hbm>> -> memref<16x300xf32, #tpu.memory_space<hbm>>
          %dma_start3A_367 = arith.constant 0 : i32
          %dma_start3A_368 = tpu.memref_slice %arg6[%multiple_of3A_364, %dma_start3A_367] : memref<4096x300xf32, #tpu.memory_space<hbm>> -> memref<16x300xf32, #tpu.memory_space<hbm>>
          tpu.enqueue_dma source(%arg11 : memref<16x300xf32, #tpu.memory_space<vmem>>) target(%dma_start3A_368 : memref<16x300xf32, #tpu.memory_space<hbm>>) target_semaphore(%run_scoped3A : memref<!tpu.dma_semaphore, #tpu.memory_space<semaphore_mem>>)
          %dma_wait3A_369 = arith.constant 0 : i32
          %dma_wait3A_370 = tpu.memref_slice %arg6[%multiple_of3A_364, %dma_wait3A_369] : memref<4096x300xf32, #tpu.memory_space<hbm>> -> memref<16x300xf32, #tpu.memory_space<hbm>>
          %dma_wait3A_371 = arith.constant 0 : i32
          %dma_wait3A_372 = tpu.memref_slice %arg6[%multiple_of3A_364, %dma_wait3A_371] : memref<4096x300xf32, #tpu.memory_space<hbm>> -> memref<16x300xf32, #tpu.memory_space<hbm>>
          tpu.wait_dma2 semaphore(%run_scoped3A : memref<!tpu.dma_semaphore, #tpu.memory_space<semaphore_mem>>) src(%arg11 : memref<16x300xf32, #tpu.memory_space<vmem>>) dst(%dma_wait3A_372 : memref<16x300xf32, #tpu.memory_space<hbm>>)
          tpu.yield
        }) : () -> ()
      } else {
      }
    }
    %scan3A_21 = arith.constant 64 : i32
    %multiple_of3A_22 = tpu.assume_multiple %mul3A_3, 8 : i32
    "tpu.region"() ({
      %run_scoped3A = tpu.sem_alloc : memref<!tpu.dma_semaphore, #tpu.memory_space<semaphore_mem>>
      %dma_start3A_43 = arith.constant 0 : i32
      %dma_start3A_44 = tpu.memref_slice %arg3[%multiple_of3A_22, %dma_start3A_43] : memref<4096x50xi32, #tpu.memory_space<hbm>> -> memref<128x50xi32, #tpu.memory_space<hbm>>
      %dma_start3A_45 = arith.constant 0 : i32
      %dma_start3A_46 = tpu.memref_slice %arg3[%multiple_of3A_22, %dma_start3A_45] : memref<4096x50xi32, #tpu.memory_space<hbm>> -> memref<128x50xi32, #tpu.memory_space<hbm>>
      tpu.enqueue_dma source(%dma_start3A_46 : memref<128x50xi32, #tpu.memory_space<hbm>>) target(%arg8 : memref<128x50xi32, #tpu.memory_space<vmem>>) target_semaphore(%run_scoped3A : memref<!tpu.dma_semaphore, #tpu.memory_space<semaphore_mem>>)
      %dma_wait3A = arith.constant 0 : i32
      %dma_wait3A_47 = tpu.memref_slice %arg3[%multiple_of3A_22, %dma_wait3A] : memref<4096x50xi32, #tpu.memory_space<hbm>> -> memref<128x50xi32, #tpu.memory_space<hbm>>
      %dma_wait3A_48 = arith.constant 0 : i32
      %dma_wait3A_49 = tpu.memref_slice %arg3[%multiple_of3A_22, %dma_wait3A_48] : memref<4096x50xi32, #tpu.memory_space<hbm>> -> memref<128x50xi32, #tpu.memory_space<hbm>>
      tpu.wait_dma2 semaphore(%run_scoped3A : memref<!tpu.dma_semaphore, #tpu.memory_space<semaphore_mem>>) src(%dma_wait3A_49 : memref<128x50xi32, #tpu.memory_space<hbm>>) dst(%arg8 : memref<128x50xi32, #tpu.memory_space<vmem>>)
      tpu.yield
    }) : () -> ()
    %dma_start3A_23 = arith.constant 0 : i32
    %dma_start3A_24 = arith.constant 0 : i32
    %dma_start3A_25 = tpu.memref_slice %arg8[%dma_start3A_23, %dma_start3A_24] : memref<128x50xi32, #tpu.memory_space<vmem>> -> memref<1x50xi32, #tpu.memory_space<vmem>>
    %dma_start3A_26 = tpu.memref_squeeze %dma_start3A_25 : memref<1x50xi32, #tpu.memory_space<vmem>> -> memref<50xi32, #tpu.memory_space<vmem>>
    %dma_start3A_27 = arith.constant 0 : i32
    %dma_start3A_28 = arith.constant 0 : i32
    %dma_start3A_29 = tpu.memref_slice %arg4[%dma_start3A_27, %dma_start3A_28] : memref<400000x304xf32, #tpu.memory_space<hbm>> -> memref<400000x304xf32, #tpu.memory_space<hbm>>
    tpu.enqueue_indirect_dma source(%dma_start3A_29 : memref<400000x304xf32, #tpu.memory_space<hbm>>) target(%arg9 : memref<50x304xf32, #tpu.memory_space<vmem>>) offsets(%dma_start3A_26 : memref<50xi32, #tpu.memory_space<vmem>>) semaphore(%arg12 : memref<!tpu.dma_semaphore, #tpu.memory_space<semaphore_mem>>)
    %dma_start3A_30 = arith.constant 1 : i32
    %dma_start3A_31 = arith.constant 0 : i32
    %dma_start3A_32 = tpu.memref_slice %arg8[%dma_start3A_30, %dma_start3A_31] : memref<128x50xi32, #tpu.memory_space<vmem>> -> memref<1x50xi32, #tpu.memory_space<vmem>>
    %dma_start3A_33 = tpu.memref_squeeze %dma_start3A_32 : memref<1x50xi32, #tpu.memory_space<vmem>> -> memref<50xi32, #tpu.memory_space<vmem>>
    %dma_start3A_34 = arith.constant 0 : i32
    %dma_start3A_35 = arith.constant 0 : i32
    %dma_start3A_36 = tpu.memref_slice %arg4[%dma_start3A_34, %dma_start3A_35] : memref<400000x304xf32, #tpu.memory_space<hbm>> -> memref<400000x304xf32, #tpu.memory_space<hbm>>
    tpu.enqueue_indirect_dma source(%dma_start3A_36 : memref<400000x304xf32, #tpu.memory_space<hbm>>) target(%arg10 : memref<50x304xf32, #tpu.memory_space<vmem>>) offsets(%dma_start3A_33 : memref<50xi32, #tpu.memory_space<vmem>>) semaphore(%arg13 : memref<!tpu.dma_semaphore, #tpu.memory_space<semaphore_mem>>)
    %scan3A_37 = arith.constant 0 : i32
    %scan3A_38 = arith.constant 0 : i32
    %scan3A_39 = arith.constant 64 : i32
    %scan3A_40 = arith.addi %scan3A_38, %scan3A_39 : i32
    %scan3A_41 = arith.constant 1 : i32
    scf.for %scan3A_43 = %scan3A_38 to %scan3A_40 step %scan3A_41  : i32 {
      %mul3A_44 = arith.constant 2 : i32
      %mul3A_45 = arith.muli %scan3A_43, %mul3A_44 : i32
      %add3A_46 = arith.constant 0 : i32
      %add3A_47 = arith.addi %mul3A_45, %add3A_46 : i32
      %dma_wait3A = arith.constant 0 : i32
      %dma_wait3A_48 = tpu.memref_slice %arg8[%add3A_47, %dma_wait3A] : memref<128x50xi32, #tpu.memory_space<vmem>> -> memref<1x50xi32, #tpu.memory_space<vmem>>
      %dma_wait3A_49 = tpu.memref_squeeze %dma_wait3A_48 : memref<1x50xi32, #tpu.memory_space<vmem>> -> memref<50xi32, #tpu.memory_space<vmem>>
      %dma_wait3A_50 = arith.constant 0 : i32
      %dma_wait3A_51 = arith.constant 0 : i32
      %dma_wait3A_52 = tpu.memref_slice %arg4[%dma_wait3A_50, %dma_wait3A_51] : memref<400000x304xf32, #tpu.memory_space<hbm>> -> memref<400000x304xf32, #tpu.memory_space<hbm>>
      tpu.wait_indirect_dma semaphore(%arg12 : memref<!tpu.dma_semaphore, #tpu.memory_space<semaphore_mem>>) src(%dma_wait3A_52 : memref<400000x304xf32, #tpu.memory_space<hbm>>) dst(%arg9 : memref<50x304xf32, #tpu.memory_space<vmem>>)
      %broadcast_in_dim3A = arith.constant 0.000000e+00 : f32
      %broadcast_in_dim3A_53 = vector.broadcast %broadcast_in_dim3A : f32 to vector<16xf32>
      %broadcast_in_dim3A_54 = arith.constant 0.000000e+00 : f32
      %broadcast_in_dim3A_55 = vector.broadcast %broadcast_in_dim3A_54 : f32 to vector<16xf32>
      %broadcast_in_dim3A_56 = arith.constant 0.000000e+00 : f32
      %broadcast_in_dim3A_57 = vector.broadcast %broadcast_in_dim3A_56 : f32 to vector<16xf32>
      %broadcast_in_dim3A_58 = arith.constant 0.000000e+00 : f32
      %broadcast_in_dim3A_59 = vector.broadcast %broadcast_in_dim3A_58 : f32 to vector<16xf32>
      %broadcast_in_dim3A_60 = arith.constant 0.000000e+00 : f32
      %broadcast_in_dim3A_61 = vector.broadcast %broadcast_in_dim3A_60 : f32 to vector<16xf32>
      %broadcast_in_dim3A_62 = arith.constant 0.000000e+00 : f32
      %broadcast_in_dim3A_63 = vector.broadcast %broadcast_in_dim3A_62 : f32 to vector<16xf32>
      %broadcast_in_dim3A_64 = arith.constant 0.000000e+00 : f32
      %broadcast_in_dim3A_65 = vector.broadcast %broadcast_in_dim3A_64 : f32 to vector<16xf32>
      %broadcast_in_dim3A_66 = arith.constant 0.000000e+00 : f32
      %broadcast_in_dim3A_67 = vector.broadcast %broadcast_in_dim3A_66 : f32 to vector<16xf32>
      %broadcast_in_dim3A_68 = arith.constant 0.000000e+00 : f32
      %broadcast_in_dim3A_69 = vector.broadcast %broadcast_in_dim3A_68 : f32 to vector<16xf32>
      %broadcast_in_dim3A_70 = arith.constant 0.000000e+00 : f32
      %broadcast_in_dim3A_71 = vector.broadcast %broadcast_in_dim3A_70 : f32 to vector<16xf32>
      %broadcast_in_dim3A_72 = arith.constant 0.000000e+00 : f32
      %broadcast_in_dim3A_73 = vector.broadcast %broadcast_in_dim3A_72 : f32 to vector<16xf32>
      %broadcast_in_dim3A_74 = arith.constant 0.000000e+00 : f32
      %broadcast_in_dim3A_75 = vector.broadcast %broadcast_in_dim3A_74 : f32 to vector<16xf32>
      %broadcast_in_dim3A_76 = arith.constant 0.000000e+00 : f32
      %broadcast_in_dim3A_77 = vector.broadcast %broadcast_in_dim3A_76 : f32 to vector<16xf32>
      %broadcast_in_dim3A_78 = arith.constant 0.000000e+00 : f32
      %broadcast_in_dim3A_79 = vector.broadcast %broadcast_in_dim3A_78 : f32 to vector<16xf32>
      %broadcast_in_dim3A_80 = arith.constant 0.000000e+00 : f32
      %broadcast_in_dim3A_81 = vector.broadcast %broadcast_in_dim3A_80 : f32 to vector<16xf32>
      %broadcast_in_dim3A_82 = arith.constant 0.000000e+00 : f32
      %broadcast_in_dim3A_83 = vector.broadcast %broadcast_in_dim3A_82 : f32 to vector<16xf32>
      %broadcast_in_dim3A_84 = arith.constant 0.000000e+00 : f32
      %broadcast_in_dim3A_85 = vector.broadcast %broadcast_in_dim3A_84 : f32 to vector<16xf32>
      %broadcast_in_dim3A_86 = arith.constant 0.000000e+00 : f32
      %broadcast_in_dim3A_87 = vector.broadcast %broadcast_in_dim3A_86 : f32 to vector<16xf32>
      %broadcast_in_dim3A_88 = arith.constant 0.000000e+00 : f32
      %broadcast_in_dim3A_89 = vector.broadcast %broadcast_in_dim3A_88 : f32 to vector<16xf32>
      %scan3A_90 = arith.constant 0 : i32
      %scan3A_91 = arith.constant 50 : i32
      %scan3A_92 = arith.addi %scan3A_90, %scan3A_91 : i32
      %scan3A_93 = arith.constant 1 : i32
      %scan3A_94:19 = scf.for %scan3A_362 = %scan3A_90 to %scan3A_92 step %scan3A_93 iter_args(%scan3A_363 = %broadcast_in_dim3A_53, %scan3A_364 = %broadcast_in_dim3A_55, %scan3A_365 = %broadcast_in_dim3A_57, %scan3A_366 = %broadcast_in_dim3A_59, %scan3A_367 = %broadcast_in_dim3A_61, %scan3A_368 = %broadcast_in_dim3A_63, %scan3A_369 = %broadcast_in_dim3A_65, %scan3A_370 = %broadcast_in_dim3A_67, %scan3A_371 = %broadcast_in_dim3A_69, %scan3A_372 = %broadcast_in_dim3A_71, %scan3A_373 = %broadcast_in_dim3A_73, %scan3A_374 = %broadcast_in_dim3A_75, %scan3A_375 = %broadcast_in_dim3A_77, %scan3A_376 = %broadcast_in_dim3A_79, %scan3A_377 = %broadcast_in_dim3A_81, %scan3A_378 = %broadcast_in_dim3A_83, %scan3A_379 = %broadcast_in_dim3A_85, %scan3A_380 = %broadcast_in_dim3A_87, %scan3A_381 = %broadcast_in_dim3A_89) -> (vector<16xf32>, vector<16xf32>, vector<16xf32>, vector<16xf32>, vector<16xf32>, vector<16xf32>, vector<16xf32>, vector<16xf32>, vector<16xf32>, vector<16xf32>, vector<16xf32>, vector<16xf32>, vector<16xf32>, vector<16xf32>, vector<16xf32>, vector<16xf32>, vector<16xf32>, vector<16xf32>, vector<16xf32>)  : i32 {
        %get3A_382 = arith.index_cast %scan3A_362 : i32 to index
        %get3A_383 = arith.constant 0 : index
        %get3A_384 = tpu.vector_load %arg9[%get3A_382, %get3A_383] {strides = array<i32>} : memref<50x304xf32, #tpu.memory_space<vmem>>, vector<16xf32>,
        %add3A_385 = arith.addf %scan3A_363, %get3A_384 : vector<16xf32>
        %get3A_386 = arith.index_cast %scan3A_362 : i32 to index
        %get3A_387 = arith.constant 16 : index
        %get3A_388 = tpu.vector_load %arg9[%get3A_386, %get3A_387] {strides = array<i32>} : memref<50x304xf32, #tpu.memory_space<vmem>>, vector<16xf32>,
        %add3A_389 = arith.addf %scan3A_364, %get3A_388 : vector<16xf32>
        %get3A_390 = arith.index_cast %scan3A_362 : i32 to index
        %get3A_391 = arith.constant 32 : index
        %get3A_392 = tpu.vector_load %arg9[%get3A_390, %get3A_391] {strides = array<i32>} : memref<50x304xf32, #tpu.memory_space<vmem>>, vector<16xf32>,
        %add3A_393 = arith.addf %scan3A_365, %get3A_392 : vector<16xf32>
        %get3A_394 = arith.index_cast %scan3A_362 : i32 to index
        %get3A_395 = arith.constant 48 : index
        %get3A_396 = tpu.vector_load %arg9[%get3A_394, %get3A_395] {strides = array<i32>} : memref<50x304xf32, #tpu.memory_space<vmem>>, vector<16xf32>,
        %add3A_397 = arith.addf %scan3A_366, %get3A_396 : vector<16xf32>
        %get3A_398 = arith.index_cast %scan3A_362 : i32 to index
        %get3A_399 = arith.constant 64 : index
        %get3A_400 = tpu.vector_load %arg9[%get3A_398, %get3A_399] {strides = array<i32>} : memref<50x304xf32, #tpu.memory_space<vmem>>, vector<16xf32>,
        %add3A_401 = arith.addf %scan3A_367, %get3A_400 : vector<16xf32>
        %get3A_402 = arith.index_cast %scan3A_362 : i32 to index
        %get3A_403 = arith.constant 80 : index
        %get3A_404 = tpu.vector_load %arg9[%get3A_402, %get3A_403] {strides = array<i32>} : memref<50x304xf32, #tpu.memory_space<vmem>>, vector<16xf32>,
        %add3A_405 = arith.addf %scan3A_368, %get3A_404 : vector<16xf32>
        %get3A_406 = arith.index_cast %scan3A_362 : i32 to index
        %get3A_407 = arith.constant 96 : index
        %get3A_408 = tpu.vector_load %arg9[%get3A_406, %get3A_407] {strides = array<i32>} : memref<50x304xf32, #tpu.memory_space<vmem>>, vector<16xf32>,
        %add3A_409 = arith.addf %scan3A_369, %get3A_408 : vector<16xf32>
        %get3A_410 = arith.index_cast %scan3A_362 : i32 to index
        %get3A_411 = arith.constant 112 : index
        %get3A_412 = tpu.vector_load %arg9[%get3A_410, %get3A_411] {strides = array<i32>} : memref<50x304xf32, #tpu.memory_space<vmem>>, vector<16xf32>,
        %add3A_413 = arith.addf %scan3A_370, %get3A_412 : vector<16xf32>
        %get3A_414 = arith.index_cast %scan3A_362 : i32 to index
        %get3A_415 = arith.constant 128 : index
        %get3A_416 = tpu.vector_load %arg9[%get3A_414, %get3A_415] {strides = array<i32>} : memref<50x304xf32, #tpu.memory_space<vmem>>, vector<16xf32>,
        %add3A_417 = arith.addf %scan3A_371, %get3A_416 : vector<16xf32>
        %get3A_418 = arith.index_cast %scan3A_362 : i32 to index
        %get3A_419 = arith.constant 144 : index
        %get3A_420 = tpu.vector_load %arg9[%get3A_418, %get3A_419] {strides = array<i32>} : memref<50x304xf32, #tpu.memory_space<vmem>>, vector<16xf32>,
        %add3A_421 = arith.addf %scan3A_372, %get3A_420 : vector<16xf32>
        %get3A_422 = arith.index_cast %scan3A_362 : i32 to index
        %get3A_423 = arith.constant 160 : index
        %get3A_424 = tpu.vector_load %arg9[%get3A_422, %get3A_423] {strides = array<i32>} : memref<50x304xf32, #tpu.memory_space<vmem>>, vector<16xf32>,
        %add3A_425 = arith.addf %scan3A_373, %get3A_424 : vector<16xf32>
        %get3A_426 = arith.index_cast %scan3A_362 : i32 to index
        %get3A_427 = arith.constant 176 : index
        %get3A_428 = tpu.vector_load %arg9[%get3A_426, %get3A_427] {strides = array<i32>} : memref<50x304xf32, #tpu.memory_space<vmem>>, vector<16xf32>,
        %add3A_429 = arith.addf %scan3A_374, %get3A_428 : vector<16xf32>
        %get3A_430 = arith.index_cast %scan3A_362 : i32 to index
        %get3A_431 = arith.constant 192 : index
        %get3A_432 = tpu.vector_load %arg9[%get3A_430, %get3A_431] {strides = array<i32>} : memref<50x304xf32, #tpu.memory_space<vmem>>, vector<16xf32>,
        %add3A_433 = arith.addf %scan3A_375, %get3A_432 : vector<16xf32>
        %get3A_434 = arith.index_cast %scan3A_362 : i32 to index
        %get3A_435 = arith.constant 208 : index
        %get3A_436 = tpu.vector_load %arg9[%get3A_434, %get3A_435] {strides = array<i32>} : memref<50x304xf32, #tpu.memory_space<vmem>>, vector<16xf32>,
        %add3A_437 = arith.addf %scan3A_376, %get3A_436 : vector<16xf32>
        %get3A_438 = arith.index_cast %scan3A_362 : i32 to index
        %get3A_439 = arith.constant 224 : index
        %get3A_440 = tpu.vector_load %arg9[%get3A_438, %get3A_439] {strides = array<i32>} : memref<50x304xf32, #tpu.memory_space<vmem>>, vector<16xf32>,
        %add3A_441 = arith.addf %scan3A_377, %get3A_440 : vector<16xf32>
        %get3A_442 = arith.index_cast %scan3A_362 : i32 to index
        %get3A_443 = arith.constant 240 : index
        %get3A_444 = tpu.vector_load %arg9[%get3A_442, %get3A_443] {strides = array<i32>} : memref<50x304xf32, #tpu.memory_space<vmem>>, vector<16xf32>,
        %add3A_445 = arith.addf %scan3A_378, %get3A_444 : vector<16xf32>
        %get3A_446 = arith.index_cast %scan3A_362 : i32 to index
        %get3A_447 = arith.constant 256 : index
        %get3A_448 = tpu.vector_load %arg9[%get3A_446, %get3A_447] {strides = array<i32>} : memref<50x304xf32, #tpu.memory_space<vmem>>, vector<16xf32>,
        %add3A_449 = arith.addf %scan3A_379, %get3A_448 : vector<16xf32>
        %get3A_450 = arith.index_cast %scan3A_362 : i32 to index
        %get3A_451 = arith.constant 272 : index
        %get3A_452 = tpu.vector_load %arg9[%get3A_450, %get3A_451] {strides = array<i32>} : memref<50x304xf32, #tpu.memory_space<vmem>>, vector<16xf32>,
        %add3A_453 = arith.addf %scan3A_380, %get3A_452 : vector<16xf32>
        %get3A_454 = arith.index_cast %scan3A_362 : i32 to index
        %get3A_455 = arith.constant 284 : index
        %get3A_456 = tpu.vector_load %arg9[%get3A_454, %get3A_455] {strides = array<i32>} : memref<50x304xf32, #tpu.memory_space<vmem>>, vector<16xf32>,
        %add3A_457 = arith.addf %scan3A_381, %get3A_456 : vector<16xf32>
        scf.yield %add3A_385, %add3A_389, %add3A_393, %add3A_397, %add3A_401, %add3A_405, %add3A_409, %add3A_413, %add3A_417, %add3A_421, %add3A_425, %add3A_429, %add3A_433, %add3A_437, %add3A_441, %add3A_445, %add3A_449, %add3A_453, %add3A_457 : vector<16xf32>, vector<16xf32>, vector<16xf32>, vector<16xf32>, vector<16xf32>, vector<16xf32>, vector<16xf32>, vector<16xf32>, vector<16xf32>, vector<16xf32>, vector<16xf32>, vector<16xf32>, vector<16xf32>, vector<16xf32>, vector<16xf32>, vector<16xf32>, vector<16xf32>, vector<16xf32>, vector<16xf32>
      }
      %scan3A_95 = arith.constant 50 : i32
      %add3A_96 = arith.constant 2 : i32
      %add3A_97 = arith.addi %add3A_47, %add3A_96 : i32
      %lt3A = arith.constant 128 : i32
      %lt3A_98 = arith.cmpi slt, %add3A_97, %lt3A : i32
      %convert_element_type3A = arith.extui %lt3A_98 : i1 to i32
      %cond3A = arith.constant 0 : i32
      %cond3A_99 = arith.cmpi ne, %convert_element_type3A, %cond3A : i32
      scf.if %cond3A_99 {
        %add3A_362 = arith.constant 2 : i32
        %add3A_363 = arith.addi %add3A_47, %add3A_362 : i32
        %dma_start3A_364 = arith.constant 0 : i32
        %dma_start3A_365 = tpu.memref_slice %arg8[%add3A_363, %dma_start3A_364] : memref<128x50xi32, #tpu.memory_space<vmem>> -> memref<1x50xi32, #tpu.memory_space<vmem>>
        %dma_start3A_366 = tpu.memref_squeeze %dma_start3A_365 : memref<1x50xi32, #tpu.memory_space<vmem>> -> memref<50xi32, #tpu.memory_space<vmem>>
        %dma_start3A_367 = arith.constant 0 : i32
        %dma_start3A_368 = arith.constant 0 : i32
        %dma_start3A_369 = tpu.memref_slice %arg4[%dma_start3A_367, %dma_start3A_368] : memref<400000x304xf32, #tpu.memory_space<hbm>> -> memref<400000x304xf32, #tpu.memory_space<hbm>>
        tpu.enqueue_indirect_dma source(%dma_start3A_369 : memref<400000x304xf32, #tpu.memory_space<hbm>>) target(%arg9 : memref<50x304xf32, #tpu.memory_space<vmem>>) offsets(%dma_start3A_366 : memref<50xi32, #tpu.memory_space<vmem>>) semaphore(%arg12 : memref<!tpu.dma_semaphore, #tpu.memory_space<semaphore_mem>>)
      } else {
      }
      %rem3A = arith.constant 16 : i32
      %rem3A_100 = arith.remsi %add3A_47, %rem3A : i32
      %mul3A_101 = vector.broadcast %squeeze3A : f32 to vector<16xf32>
      %mul3A_102 = arith.mulf %scan3A_94#0, %mul3A_101 : vector<16xf32>
      %swap3A = arith.index_cast %rem3A_100 : i32 to index
      %swap3A_103 = arith.constant 0 : index
      %swap3A_104 = tpu.vector_load %arg11[%swap3A, %swap3A_103] {strides = array<i32>} : memref<16x300xf32, #tpu.memory_space<vmem>>, vector<16xf32>,
      tpu.vector_store %arg11[%swap3A, %swap3A_103], %mul3A_102 {strides = array<i32>} : memref<16x300xf32, #tpu.memory_space<vmem>>, vector<16xf32>,
      %mul3A_105 = vector.broadcast %squeeze3A : f32 to vector<16xf32>
      %mul3A_106 = arith.mulf %scan3A_94#1, %mul3A_105 : vector<16xf32>
      %swap3A_107 = arith.index_cast %rem3A_100 : i32 to index
      %swap3A_108 = arith.constant 16 : index
      %swap3A_109 = tpu.vector_load %arg11[%swap3A_107, %swap3A_108] {strides = array<i32>} : memref<16x300xf32, #tpu.memory_space<vmem>>, vector<16xf32>,
      tpu.vector_store %arg11[%swap3A_107, %swap3A_108], %mul3A_106 {strides = array<i32>} : memref<16x300xf32, #tpu.memory_space<vmem>>, vector<16xf32>,
      %mul3A_110 = vector.broadcast %squeeze3A : f32 to vector<16xf32>
      %mul3A_111 = arith.mulf %scan3A_94#2, %mul3A_110 : vector<16xf32>
      %swap3A_112 = arith.index_cast %rem3A_100 : i32 to index
      %swap3A_113 = arith.constant 32 : index
      %swap3A_114 = tpu.vector_load %arg11[%swap3A_112, %swap3A_113] {strides = array<i32>} : memref<16x300xf32, #tpu.memory_space<vmem>>, vector<16xf32>,
      tpu.vector_store %arg11[%swap3A_112, %swap3A_113], %mul3A_111 {strides = array<i32>} : memref<16x300xf32, #tpu.memory_space<vmem>>, vector<16xf32>,
      %mul3A_115 = vector.broadcast %squeeze3A : f32 to vector<16xf32>
      %mul3A_116 = arith.mulf %scan3A_94#3, %mul3A_115 : vector<16xf32>
      %swap3A_117 = arith.index_cast %rem3A_100 : i32 to index
      %swap3A_118 = arith.constant 48 : index
      %swap3A_119 = tpu.vector_load %arg11[%swap3A_117, %swap3A_118] {strides = array<i32>} : memref<16x300xf32, #tpu.memory_space<vmem>>, vector<16xf32>,
      tpu.vector_store %arg11[%swap3A_117, %swap3A_118], %mul3A_116 {strides = array<i32>} : memref<16x300xf32, #tpu.memory_space<vmem>>, vector<16xf32>,
      %mul3A_120 = vector.broadcast %squeeze3A : f32 to vector<16xf32>
      %mul3A_121 = arith.mulf %scan3A_94#4, %mul3A_120 : vector<16xf32>
      %swap3A_122 = arith.index_cast %rem3A_100 : i32 to index
      %swap3A_123 = arith.constant 64 : index
      %swap3A_124 = tpu.vector_load %arg11[%swap3A_122, %swap3A_123] {strides = array<i32>} : memref<16x300xf32, #tpu.memory_space<vmem>>, vector<16xf32>,
      tpu.vector_store %arg11[%swap3A_122, %swap3A_123], %mul3A_121 {strides = array<i32>} : memref<16x300xf32, #tpu.memory_space<vmem>>, vector<16xf32>,
      %mul3A_125 = vector.broadcast %squeeze3A : f32 to vector<16xf32>
      %mul3A_126 = arith.mulf %scan3A_94#5, %mul3A_125 : vector<16xf32>
      %swap3A_127 = arith.index_cast %rem3A_100 : i32 to index
      %swap3A_128 = arith.constant 80 : index
      %swap3A_129 = tpu.vector_load %arg11[%swap3A_127, %swap3A_128] {strides = array<i32>} : memref<16x300xf32, #tpu.memory_space<vmem>>, vector<16xf32>,
      tpu.vector_store %arg11[%swap3A_127, %swap3A_128], %mul3A_126 {strides = array<i32>} : memref<16x300xf32, #tpu.memory_space<vmem>>, vector<16xf32>,
      %mul3A_130 = vector.broadcast %squeeze3A : f32 to vector<16xf32>
      %mul3A_131 = arith.mulf %scan3A_94#6, %mul3A_130 : vector<16xf32>
      %swap3A_132 = arith.index_cast %rem3A_100 : i32 to index
      %swap3A_133 = arith.constant 96 : index
      %swap3A_134 = tpu.vector_load %arg11[%swap3A_132, %swap3A_133] {strides = array<i32>} : memref<16x300xf32, #tpu.memory_space<vmem>>, vector<16xf32>,
      tpu.vector_store %arg11[%swap3A_132, %swap3A_133], %mul3A_131 {strides = array<i32>} : memref<16x300xf32, #tpu.memory_space<vmem>>, vector<16xf32>,
      %mul3A_135 = vector.broadcast %squeeze3A : f32 to vector<16xf32>
      %mul3A_136 = arith.mulf %scan3A_94#7, %mul3A_135 : vector<16xf32>
      %swap3A_137 = arith.index_cast %rem3A_100 : i32 to index
      %swap3A_138 = arith.constant 112 : index
      %swap3A_139 = tpu.vector_load %arg11[%swap3A_137, %swap3A_138] {strides = array<i32>} : memref<16x300xf32, #tpu.memory_space<vmem>>, vector<16xf32>,
      tpu.vector_store %arg11[%swap3A_137, %swap3A_138], %mul3A_136 {strides = array<i32>} : memref<16x300xf32, #tpu.memory_space<vmem>>, vector<16xf32>,
      %mul3A_140 = vector.broadcast %squeeze3A : f32 to vector<16xf32>
      %mul3A_141 = arith.mulf %scan3A_94#8, %mul3A_140 : vector<16xf32>
      %swap3A_142 = arith.index_cast %rem3A_100 : i32 to index
      %swap3A_143 = arith.constant 128 : index
      %swap3A_144 = tpu.vector_load %arg11[%swap3A_142, %swap3A_143] {strides = array<i32>} : memref<16x300xf32, #tpu.memory_space<vmem>>, vector<16xf32>,
      tpu.vector_store %arg11[%swap3A_142, %swap3A_143], %mul3A_141 {strides = array<i32>} : memref<16x300xf32, #tpu.memory_space<vmem>>, vector<16xf32>,
      %mul3A_145 = vector.broadcast %squeeze3A : f32 to vector<16xf32>
      %mul3A_146 = arith.mulf %scan3A_94#9, %mul3A_145 : vector<16xf32>
      %swap3A_147 = arith.index_cast %rem3A_100 : i32 to index
      %swap3A_148 = arith.constant 144 : index
      %swap3A_149 = tpu.vector_load %arg11[%swap3A_147, %swap3A_148] {strides = array<i32>} : memref<16x300xf32, #tpu.memory_space<vmem>>, vector<16xf32>,
      tpu.vector_store %arg11[%swap3A_147, %swap3A_148], %mul3A_146 {strides = array<i32>} : memref<16x300xf32, #tpu.memory_space<vmem>>, vector<16xf32>,
      %mul3A_150 = vector.broadcast %squeeze3A : f32 to vector<16xf32>
      %mul3A_151 = arith.mulf %scan3A_94#10, %mul3A_150 : vector<16xf32>
      %swap3A_152 = arith.index_cast %rem3A_100 : i32 to index
      %swap3A_153 = arith.constant 160 : index
      %swap3A_154 = tpu.vector_load %arg11[%swap3A_152, %swap3A_153] {strides = array<i32>} : memref<16x300xf32, #tpu.memory_space<vmem>>, vector<16xf32>,
      tpu.vector_store %arg11[%swap3A_152, %swap3A_153], %mul3A_151 {strides = array<i32>} : memref<16x300xf32, #tpu.memory_space<vmem>>, vector<16xf32>,
      %mul3A_155 = vector.broadcast %squeeze3A : f32 to vector<16xf32>
      %mul3A_156 = arith.mulf %scan3A_94#11, %mul3A_155 : vector<16xf32>
      %swap3A_157 = arith.index_cast %rem3A_100 : i32 to index
      %swap3A_158 = arith.constant 176 : index
      %swap3A_159 = tpu.vector_load %arg11[%swap3A_157, %swap3A_158] {strides = array<i32>} : memref<16x300xf32, #tpu.memory_space<vmem>>, vector<16xf32>,
      tpu.vector_store %arg11[%swap3A_157, %swap3A_158], %mul3A_156 {strides = array<i32>} : memref<16x300xf32, #tpu.memory_space<vmem>>, vector<16xf32>,
      %mul3A_160 = vector.broadcast %squeeze3A : f32 to vector<16xf32>
      %mul3A_161 = arith.mulf %scan3A_94#12, %mul3A_160 : vector<16xf32>
      %swap3A_162 = arith.index_cast %rem3A_100 : i32 to index
      %swap3A_163 = arith.constant 192 : index
      %swap3A_164 = tpu.vector_load %arg11[%swap3A_162, %swap3A_163] {strides = array<i32>} : memref<16x300xf32, #tpu.memory_space<vmem>>, vector<16xf32>,
      tpu.vector_store %arg11[%swap3A_162, %swap3A_163], %mul3A_161 {strides = array<i32>} : memref<16x300xf32, #tpu.memory_space<vmem>>, vector<16xf32>,
      %mul3A_165 = vector.broadcast %squeeze3A : f32 to vector<16xf32>
      %mul3A_166 = arith.mulf %scan3A_94#13, %mul3A_165 : vector<16xf32>
      %swap3A_167 = arith.index_cast %rem3A_100 : i32 to index
      %swap3A_168 = arith.constant 208 : index
      %swap3A_169 = tpu.vector_load %arg11[%swap3A_167, %swap3A_168] {strides = array<i32>} : memref<16x300xf32, #tpu.memory_space<vmem>>, vector<16xf32>,
      tpu.vector_store %arg11[%swap3A_167, %swap3A_168], %mul3A_166 {strides = array<i32>} : memref<16x300xf32, #tpu.memory_space<vmem>>, vector<16xf32>,
      %mul3A_170 = vector.broadcast %squeeze3A : f32 to vector<16xf32>
      %mul3A_171 = arith.mulf %scan3A_94#14, %mul3A_170 : vector<16xf32>
      %swap3A_172 = arith.index_cast %rem3A_100 : i32 to index
      %swap3A_173 = arith.constant 224 : index
      %swap3A_174 = tpu.vector_load %arg11[%swap3A_172, %swap3A_173] {strides = array<i32>} : memref<16x300xf32, #tpu.memory_space<vmem>>, vector<16xf32>,
      tpu.vector_store %arg11[%swap3A_172, %swap3A_173], %mul3A_171 {strides = array<i32>} : memref<16x300xf32, #tpu.memory_space<vmem>>, vector<16xf32>,
      %mul3A_175 = vector.broadcast %squeeze3A : f32 to vector<16xf32>
      %mul3A_176 = arith.mulf %scan3A_94#15, %mul3A_175 : vector<16xf32>
      %swap3A_177 = arith.index_cast %rem3A_100 : i32 to index
      %swap3A_178 = arith.constant 240 : index
      %swap3A_179 = tpu.vector_load %arg11[%swap3A_177, %swap3A_178] {strides = array<i32>} : memref<16x300xf32, #tpu.memory_space<vmem>>, vector<16xf32>,
      tpu.vector_store %arg11[%swap3A_177, %swap3A_178], %mul3A_176 {strides = array<i32>} : memref<16x300xf32, #tpu.memory_space<vmem>>, vector<16xf32>,
      %mul3A_180 = vector.broadcast %squeeze3A : f32 to vector<16xf32>
      %mul3A_181 = arith.mulf %scan3A_94#16, %mul3A_180 : vector<16xf32>
      %swap3A_182 = arith.index_cast %rem3A_100 : i32 to index
      %swap3A_183 = arith.constant 256 : index
      %swap3A_184 = tpu.vector_load %arg11[%swap3A_182, %swap3A_183] {strides = array<i32>} : memref<16x300xf32, #tpu.memory_space<vmem>>, vector<16xf32>,
      tpu.vector_store %arg11[%swap3A_182, %swap3A_183], %mul3A_181 {strides = array<i32>} : memref<16x300xf32, #tpu.memory_space<vmem>>, vector<16xf32>,
      %mul3A_185 = vector.broadcast %squeeze3A : f32 to vector<16xf32>
      %mul3A_186 = arith.mulf %scan3A_94#17, %mul3A_185 : vector<16xf32>
      %swap3A_187 = arith.index_cast %rem3A_100 : i32 to index
      %swap3A_188 = arith.constant 272 : index
      %swap3A_189 = tpu.vector_load %arg11[%swap3A_187, %swap3A_188] {strides = array<i32>} : memref<16x300xf32, #tpu.memory_space<vmem>>, vector<16xf32>,
      tpu.vector_store %arg11[%swap3A_187, %swap3A_188], %mul3A_186 {strides = array<i32>} : memref<16x300xf32, #tpu.memory_space<vmem>>, vector<16xf32>,
      %mul3A_190 = vector.broadcast %squeeze3A : f32 to vector<16xf32>
      %mul3A_191 = arith.mulf %scan3A_94#18, %mul3A_190 : vector<16xf32>
      %swap3A_192 = arith.index_cast %rem3A_100 : i32 to index
      %swap3A_193 = arith.constant 284 : index
      %swap3A_194 = tpu.vector_load %arg11[%swap3A_192, %swap3A_193] {strides = array<i32>} : memref<16x300xf32, #tpu.memory_space<vmem>>, vector<16xf32>,
      tpu.vector_store %arg11[%swap3A_192, %swap3A_193], %mul3A_191 {strides = array<i32>} : memref<16x300xf32, #tpu.memory_space<vmem>>, vector<16xf32>,
      %eq3A = arith.constant 15 : i32
      %eq3A_195 = arith.cmpi eq, %rem3A_100, %eq3A : i32
      %convert_element_type3A_196 = arith.extui %eq3A_195 : i1 to i32
      %cond3A_197 = arith.constant 0 : i32
      %cond3A_198 = arith.cmpi ne, %convert_element_type3A_196, %cond3A_197 : i32
      scf.if %cond3A_198 {
        %add3A_362 = arith.addi %mul3A_3, %add3A_47 : i32
        %sub3A = arith.constant 15 : i32
        %sub3A_363 = arith.subi %add3A_362, %sub3A : i32
        %multiple_of3A_364 = tpu.assume_multiple %sub3A_363, 8 : i32
        "tpu.region"() ({
          %run_scoped3A = tpu.sem_alloc : memref<!tpu.dma_semaphore, #tpu.memory_space<semaphore_mem>>
          %dma_start3A_365 = arith.constant 0 : i32
          %dma_start3A_366 = tpu.memref_slice %arg7[%multiple_of3A_364, %dma_start3A_365] : memref<4096x300xf32, #tpu.memory_space<hbm>> -> memref<16x300xf32, #tpu.memory_space<hbm>>
          %dma_start3A_367 = arith.constant 0 : i32
          %dma_start3A_368 = tpu.memref_slice %arg7[%multiple_of3A_364, %dma_start3A_367] : memref<4096x300xf32, #tpu.memory_space<hbm>> -> memref<16x300xf32, #tpu.memory_space<hbm>>
          tpu.enqueue_dma source(%arg11 : memref<16x300xf32, #tpu.memory_space<vmem>>) target(%dma_start3A_368 : memref<16x300xf32, #tpu.memory_space<hbm>>) target_semaphore(%run_scoped3A : memref<!tpu.dma_semaphore, #tpu.memory_space<semaphore_mem>>)
          %dma_wait3A_369 = arith.constant 0 : i32
          %dma_wait3A_370 = tpu.memref_slice %arg7[%multiple_of3A_364, %dma_wait3A_369] : memref<4096x300xf32, #tpu.memory_space<hbm>> -> memref<16x300xf32, #tpu.memory_space<hbm>>
          %dma_wait3A_371 = arith.constant 0 : i32
          %dma_wait3A_372 = tpu.memref_slice %arg7[%multiple_of3A_364, %dma_wait3A_371] : memref<4096x300xf32, #tpu.memory_space<hbm>> -> memref<16x300xf32, #tpu.memory_space<hbm>>
          tpu.wait_dma2 semaphore(%run_scoped3A : memref<!tpu.dma_semaphore, #tpu.memory_space<semaphore_mem>>) src(%arg11 : memref<16x300xf32, #tpu.memory_space<vmem>>) dst(%dma_wait3A_372 : memref<16x300xf32, #tpu.memory_space<hbm>>)
          tpu.yield
        }) : () -> ()
      } else {
      }
      %mul3A_199 = arith.constant 2 : i32
      %mul3A_200 = arith.muli %scan3A_43, %mul3A_199 : i32
      %add3A_201 = arith.constant 1 : i32
      %add3A_202 = arith.addi %mul3A_200, %add3A_201 : i32
      %dma_wait3A_203 = arith.constant 0 : i32
      %dma_wait3A_204 = tpu.memref_slice %arg8[%add3A_202, %dma_wait3A_203] : memref<128x50xi32, #tpu.memory_space<vmem>> -> memref<1x50xi32, #tpu.memory_space<vmem>>
      %dma_wait3A_205 = tpu.memref_squeeze %dma_wait3A_204 : memref<1x50xi32, #tpu.memory_space<vmem>> -> memref<50xi32, #tpu.memory_space<vmem>>
      %dma_wait3A_206 = arith.constant 0 : i32
      %dma_wait3A_207 = arith.constant 0 : i32
      %dma_wait3A_208 = tpu.memref_slice %arg4[%dma_wait3A_206, %dma_wait3A_207] : memref<400000x304xf32, #tpu.memory_space<hbm>> -> memref<400000x304xf32, #tpu.memory_space<hbm>>
      tpu.wait_indirect_dma semaphore(%arg13 : memref<!tpu.dma_semaphore, #tpu.memory_space<semaphore_mem>>) src(%dma_wait3A_208 : memref<400000x304xf32, #tpu.memory_space<hbm>>) dst(%arg10 : memref<50x304xf32, #tpu.memory_space<vmem>>)
      %broadcast_in_dim3A_209 = arith.constant 0.000000e+00 : f32
      %broadcast_in_dim3A_210 = vector.broadcast %broadcast_in_dim3A_209 : f32 to vector<16xf32>
      %broadcast_in_dim3A_211 = arith.constant 0.000000e+00 : f32
      %broadcast_in_dim3A_212 = vector.broadcast %broadcast_in_dim3A_211 : f32 to vector<16xf32>
      %broadcast_in_dim3A_213 = arith.constant 0.000000e+00 : f32
      %broadcast_in_dim3A_214 = vector.broadcast %broadcast_in_dim3A_213 : f32 to vector<16xf32>
      %broadcast_in_dim3A_215 = arith.constant 0.000000e+00 : f32
      %broadcast_in_dim3A_216 = vector.broadcast %broadcast_in_dim3A_215 : f32 to vector<16xf32>
      %broadcast_in_dim3A_217 = arith.constant 0.000000e+00 : f32
      %broadcast_in_dim3A_218 = vector.broadcast %broadcast_in_dim3A_217 : f32 to vector<16xf32>
      %broadcast_in_dim3A_219 = arith.constant 0.000000e+00 : f32
      %broadcast_in_dim3A_220 = vector.broadcast %broadcast_in_dim3A_219 : f32 to vector<16xf32>
      %broadcast_in_dim3A_221 = arith.constant 0.000000e+00 : f32
      %broadcast_in_dim3A_222 = vector.broadcast %broadcast_in_dim3A_221 : f32 to vector<16xf32>
      %broadcast_in_dim3A_223 = arith.constant 0.000000e+00 : f32
      %broadcast_in_dim3A_224 = vector.broadcast %broadcast_in_dim3A_223 : f32 to vector<16xf32>
      %broadcast_in_dim3A_225 = arith.constant 0.000000e+00 : f32
      %broadcast_in_dim3A_226 = vector.broadcast %broadcast_in_dim3A_225 : f32 to vector<16xf32>
      %broadcast_in_dim3A_227 = arith.constant 0.000000e+00 : f32
      %broadcast_in_dim3A_228 = vector.broadcast %broadcast_in_dim3A_227 : f32 to vector<16xf32>
      %broadcast_in_dim3A_229 = arith.constant 0.000000e+00 : f32
      %broadcast_in_dim3A_230 = vector.broadcast %broadcast_in_dim3A_229 : f32 to vector<16xf32>
      %broadcast_in_dim3A_231 = arith.constant 0.000000e+00 : f32
      %broadcast_in_dim3A_232 = vector.broadcast %broadcast_in_dim3A_231 : f32 to vector<16xf32>
      %broadcast_in_dim3A_233 = arith.constant 0.000000e+00 : f32
      %broadcast_in_dim3A_234 = vector.broadcast %broadcast_in_dim3A_233 : f32 to vector<16xf32>
      %broadcast_in_dim3A_235 = arith.constant 0.000000e+00 : f32
      %broadcast_in_dim3A_236 = vector.broadcast %broadcast_in_dim3A_235 : f32 to vector<16xf32>
      %broadcast_in_dim3A_237 = arith.constant 0.000000e+00 : f32
      %broadcast_in_dim3A_238 = vector.broadcast %broadcast_in_dim3A_237 : f32 to vector<16xf32>
      %broadcast_in_dim3A_239 = arith.constant 0.000000e+00 : f32
      %broadcast_in_dim3A_240 = vector.broadcast %broadcast_in_dim3A_239 : f32 to vector<16xf32>
      %broadcast_in_dim3A_241 = arith.constant 0.000000e+00 : f32
      %broadcast_in_dim3A_242 = vector.broadcast %broadcast_in_dim3A_241 : f32 to vector<16xf32>
      %broadcast_in_dim3A_243 = arith.constant 0.000000e+00 : f32
      %broadcast_in_dim3A_244 = vector.broadcast %broadcast_in_dim3A_243 : f32 to vector<16xf32>
      %broadcast_in_dim3A_245 = arith.constant 0.000000e+00 : f32
      %broadcast_in_dim3A_246 = vector.broadcast %broadcast_in_dim3A_245 : f32 to vector<16xf32>
      %scan3A_247 = arith.constant 0 : i32
      %scan3A_248 = arith.constant 50 : i32
      %scan3A_249 = arith.addi %scan3A_247, %scan3A_248 : i32
      %scan3A_250 = arith.constant 1 : i32
      %scan3A_251:19 = scf.for %scan3A_362 = %scan3A_247 to %scan3A_249 step %scan3A_250 iter_args(%scan3A_363 = %broadcast_in_dim3A_210, %scan3A_364 = %broadcast_in_dim3A_212, %scan3A_365 = %broadcast_in_dim3A_214, %scan3A_366 = %broadcast_in_dim3A_216, %scan3A_367 = %broadcast_in_dim3A_218, %scan3A_368 = %broadcast_in_dim3A_220, %scan3A_369 = %broadcast_in_dim3A_222, %scan3A_370 = %broadcast_in_dim3A_224, %scan3A_371 = %broadcast_in_dim3A_226, %scan3A_372 = %broadcast_in_dim3A_228, %scan3A_373 = %broadcast_in_dim3A_230, %scan3A_374 = %broadcast_in_dim3A_232, %scan3A_375 = %broadcast_in_dim3A_234, %scan3A_376 = %broadcast_in_dim3A_236, %scan3A_377 = %broadcast_in_dim3A_238, %scan3A_378 = %broadcast_in_dim3A_240, %scan3A_379 = %broadcast_in_dim3A_242, %scan3A_380 = %broadcast_in_dim3A_244, %scan3A_381 = %broadcast_in_dim3A_246) -> (vector<16xf32>, vector<16xf32>, vector<16xf32>, vector<16xf32>, vector<16xf32>, vector<16xf32>, vector<16xf32>, vector<16xf32>, vector<16xf32>, vector<16xf32>, vector<16xf32>, vector<16xf32>, vector<16xf32>, vector<16xf32>, vector<16xf32>, vector<16xf32>, vector<16xf32>, vector<16xf32>, vector<16xf32>)  : i32 {
        %get3A_382 = arith.index_cast %scan3A_362 : i32 to index
        %get3A_383 = arith.constant 0 : index
        %get3A_384 = tpu.vector_load %arg10[%get3A_382, %get3A_383] {strides = array<i32>} : memref<50x304xf32, #tpu.memory_space<vmem>>, vector<16xf32>,
        %add3A_385 = arith.addf %scan3A_363, %get3A_384 : vector<16xf32>
        %get3A_386 = arith.index_cast %scan3A_362 : i32 to index
        %get3A_387 = arith.constant 16 : index
        %get3A_388 = tpu.vector_load %arg10[%get3A_386, %get3A_387] {strides = array<i32>} : memref<50x304xf32, #tpu.memory_space<vmem>>, vector<16xf32>,
        %add3A_389 = arith.addf %scan3A_364, %get3A_388 : vector<16xf32>
        %get3A_390 = arith.index_cast %scan3A_362 : i32 to index
        %get3A_391 = arith.constant 32 : index
        %get3A_392 = tpu.vector_load %arg10[%get3A_390, %get3A_391] {strides = array<i32>} : memref<50x304xf32, #tpu.memory_space<vmem>>, vector<16xf32>,
        %add3A_393 = arith.addf %scan3A_365, %get3A_392 : vector<16xf32>
        %get3A_394 = arith.index_cast %scan3A_362 : i32 to index
        %get3A_395 = arith.constant 48 : index
        %get3A_396 = tpu.vector_load %arg10[%get3A_394, %get3A_395] {strides = array<i32>} : memref<50x304xf32, #tpu.memory_space<vmem>>, vector<16xf32>,
        %add3A_397 = arith.addf %scan3A_366, %get3A_396 : vector<16xf32>
        %get3A_398 = arith.index_cast %scan3A_362 : i32 to index
        %get3A_399 = arith.constant 64 : index
        %get3A_400 = tpu.vector_load %arg10[%get3A_398, %get3A_399] {strides = array<i32>} : memref<50x304xf32, #tpu.memory_space<vmem>>, vector<16xf32>,
        %add3A_401 = arith.addf %scan3A_367, %get3A_400 : vector<16xf32>
        %get3A_402 = arith.index_cast %scan3A_362 : i32 to index
        %get3A_403 = arith.constant 80 : index
        %get3A_404 = tpu.vector_load %arg10[%get3A_402, %get3A_403] {strides = array<i32>} : memref<50x304xf32, #tpu.memory_space<vmem>>, vector<16xf32>,
        %add3A_405 = arith.addf %scan3A_368, %get3A_404 : vector<16xf32>
        %get3A_406 = arith.index_cast %scan3A_362 : i32 to index
        %get3A_407 = arith.constant 96 : index
        %get3A_408 = tpu.vector_load %arg10[%get3A_406, %get3A_407] {strides = array<i32>} : memref<50x304xf32, #tpu.memory_space<vmem>>, vector<16xf32>,
        %add3A_409 = arith.addf %scan3A_369, %get3A_408 : vector<16xf32>
        %get3A_410 = arith.index_cast %scan3A_362 : i32 to index
        %get3A_411 = arith.constant 112 : index
        %get3A_412 = tpu.vector_load %arg10[%get3A_410, %get3A_411] {strides = array<i32>} : memref<50x304xf32, #tpu.memory_space<vmem>>, vector<16xf32>,
        %add3A_413 = arith.addf %scan3A_370, %get3A_412 : vector<16xf32>
        %get3A_414 = arith.index_cast %scan3A_362 : i32 to index
        %get3A_415 = arith.constant 128 : index
        %get3A_416 = tpu.vector_load %arg10[%get3A_414, %get3A_415] {strides = array<i32>} : memref<50x304xf32, #tpu.memory_space<vmem>>, vector<16xf32>,
        %add3A_417 = arith.addf %scan3A_371, %get3A_416 : vector<16xf32>
        %get3A_418 = arith.index_cast %scan3A_362 : i32 to index
        %get3A_419 = arith.constant 144 : index
        %get3A_420 = tpu.vector_load %arg10[%get3A_418, %get3A_419] {strides = array<i32>} : memref<50x304xf32, #tpu.memory_space<vmem>>, vector<16xf32>,
        %add3A_421 = arith.addf %scan3A_372, %get3A_420 : vector<16xf32>
        %get3A_422 = arith.index_cast %scan3A_362 : i32 to index
        %get3A_423 = arith.constant 160 : index
        %get3A_424 = tpu.vector_load %arg10[%get3A_422, %get3A_423] {strides = array<i32>} : memref<50x304xf32, #tpu.memory_space<vmem>>, vector<16xf32>,
        %add3A_425 = arith.addf %scan3A_373, %get3A_424 : vector<16xf32>
        %get3A_426 = arith.index_cast %scan3A_362 : i32 to index
        %get3A_427 = arith.constant 176 : index
        %get3A_428 = tpu.vector_load %arg10[%get3A_426, %get3A_427] {strides = array<i32>} : memref<50x304xf32, #tpu.memory_space<vmem>>, vector<16xf32>,
        %add3A_429 = arith.addf %scan3A_374, %get3A_428 : vector<16xf32>
        %get3A_430 = arith.index_cast %scan3A_362 : i32 to index
        %get3A_431 = arith.constant 192 : index
        %get3A_432 = tpu.vector_load %arg10[%get3A_430, %get3A_431] {strides = array<i32>} : memref<50x304xf32, #tpu.memory_space<vmem>>, vector<16xf32>,
        %add3A_433 = arith.addf %scan3A_375, %get3A_432 : vector<16xf32>
        %get3A_434 = arith.index_cast %scan3A_362 : i32 to index
        %get3A_435 = arith.constant 208 : index
        %get3A_436 = tpu.vector_load %arg10[%get3A_434, %get3A_435] {strides = array<i32>} : memref<50x304xf32, #tpu.memory_space<vmem>>, vector<16xf32>,
        %add3A_437 = arith.addf %scan3A_376, %get3A_436 : vector<16xf32>
        %get3A_438 = arith.index_cast %scan3A_362 : i32 to index
        %get3A_439 = arith.constant 224 : index
        %get3A_440 = tpu.vector_load %arg10[%get3A_438, %get3A_439] {strides = array<i32>} : memref<50x304xf32, #tpu.memory_space<vmem>>, vector<16xf32>,
        %add3A_441 = arith.addf %scan3A_377, %get3A_440 : vector<16xf32>
        %get3A_442 = arith.index_cast %scan3A_362 : i32 to index
        %get3A_443 = arith.constant 240 : index
        %get3A_444 = tpu.vector_load %arg10[%get3A_442, %get3A_443] {strides = array<i32>} : memref<50x304xf32, #tpu.memory_space<vmem>>, vector<16xf32>,
        %add3A_445 = arith.addf %scan3A_378, %get3A_444 : vector<16xf32>
        %get3A_446 = arith.index_cast %scan3A_362 : i32 to index
        %get3A_447 = arith.constant 256 : index
        %get3A_448 = tpu.vector_load %arg10[%get3A_446, %get3A_447] {strides = array<i32>} : memref<50x304xf32, #tpu.memory_space<vmem>>, vector<16xf32>,
        %add3A_449 = arith.addf %scan3A_379, %get3A_448 : vector<16xf32>
        %get3A_450 = arith.index_cast %scan3A_362 : i32 to index
        %get3A_451 = arith.constant 272 : index
        %get3A_452 = tpu.vector_load %arg10[%get3A_450, %get3A_451] {strides = array<i32>} : memref<50x304xf32, #tpu.memory_space<vmem>>, vector<16xf32>,
        %add3A_453 = arith.addf %scan3A_380, %get3A_452 : vector<16xf32>
        %get3A_454 = arith.index_cast %scan3A_362 : i32 to index
        %get3A_455 = arith.constant 284 : index
        %get3A_456 = tpu.vector_load %arg10[%get3A_454, %get3A_455] {strides = array<i32>} : memref<50x304xf32, #tpu.memory_space<vmem>>, vector<16xf32>,
        %add3A_457 = arith.addf %scan3A_381, %get3A_456 : vector<16xf32>
        scf.yield %add3A_385, %add3A_389, %add3A_393, %add3A_397, %add3A_401, %add3A_405, %add3A_409, %add3A_413, %add3A_417, %add3A_421, %add3A_425, %add3A_429, %add3A_433, %add3A_437, %add3A_441, %add3A_445, %add3A_449, %add3A_453, %add3A_457 : vector<16xf32>, vector<16xf32>, vector<16xf32>, vector<16xf32>, vector<16xf32>, vector<16xf32>, vector<16xf32>, vector<16xf32>, vector<16xf32>, vector<16xf32>, vector<16xf32>, vector<16xf32>, vector<16xf32>, vector<16xf32>, vector<16xf32>, vector<16xf32>, vector<16xf32>, vector<16xf32>, vector<16xf32>
      }
      %scan3A_252 = arith.constant 50 : i32
      %add3A_253 = arith.constant 2 : i32
      %add3A_254 = arith.addi %add3A_202, %add3A_253 : i32
      %lt3A_255 = arith.constant 128 : i32
      %lt3A_256 = arith.cmpi slt, %add3A_254, %lt3A_255 : i32
      %convert_element_type3A_257 = arith.extui %lt3A_256 : i1 to i32
      %cond3A_258 = arith.constant 0 : i32
      %cond3A_259 = arith.cmpi ne, %convert_element_type3A_257, %cond3A_258 : i32
      scf.if %cond3A_259 {
        %add3A_362 = arith.constant 2 : i32
        %add3A_363 = arith.addi %add3A_202, %add3A_362 : i32
        %dma_start3A_364 = arith.constant 0 : i32
        %dma_start3A_365 = tpu.memref_slice %arg8[%add3A_363, %dma_start3A_364] : memref<128x50xi32, #tpu.memory_space<vmem>> -> memref<1x50xi32, #tpu.memory_space<vmem>>
        %dma_start3A_366 = tpu.memref_squeeze %dma_start3A_365 : memref<1x50xi32, #tpu.memory_space<vmem>> -> memref<50xi32, #tpu.memory_space<vmem>>
        %dma_start3A_367 = arith.constant 0 : i32
        %dma_start3A_368 = arith.constant 0 : i32
        %dma_start3A_369 = tpu.memref_slice %arg4[%dma_start3A_367, %dma_start3A_368] : memref<400000x304xf32, #tpu.memory_space<hbm>> -> memref<400000x304xf32, #tpu.memory_space<hbm>>
        tpu.enqueue_indirect_dma source(%dma_start3A_369 : memref<400000x304xf32, #tpu.memory_space<hbm>>) target(%arg10 : memref<50x304xf32, #tpu.memory_space<vmem>>) offsets(%dma_start3A_366 : memref<50xi32, #tpu.memory_space<vmem>>) semaphore(%arg13 : memref<!tpu.dma_semaphore, #tpu.memory_space<semaphore_mem>>)
      } else {
      }
      %rem3A_260 = arith.constant 16 : i32
      %rem3A_261 = arith.remsi %add3A_202, %rem3A_260 : i32
      %mul3A_262 = vector.broadcast %squeeze3A : f32 to vector<16xf32>
      %mul3A_263 = arith.mulf %scan3A_251#0, %mul3A_262 : vector<16xf32>
      %swap3A_264 = arith.index_cast %rem3A_261 : i32 to index
      %swap3A_265 = arith.constant 0 : index
      %swap3A_266 = tpu.vector_load %arg11[%swap3A_264, %swap3A_265] {strides = array<i32>} : memref<16x300xf32, #tpu.memory_space<vmem>>, vector<16xf32>,
      tpu.vector_store %arg11[%swap3A_264, %swap3A_265], %mul3A_263 {strides = array<i32>} : memref<16x300xf32, #tpu.memory_space<vmem>>, vector<16xf32>,
      %mul3A_267 = vector.broadcast %squeeze3A : f32 to vector<16xf32>
      %mul3A_268 = arith.mulf %scan3A_251#1, %mul3A_267 : vector<16xf32>
      %swap3A_269 = arith.index_cast %rem3A_261 : i32 to index
      %swap3A_270 = arith.constant 16 : index
      %swap3A_271 = tpu.vector_load %arg11[%swap3A_269, %swap3A_270] {strides = array<i32>} : memref<16x300xf32, #tpu.memory_space<vmem>>, vector<16xf32>,
      tpu.vector_store %arg11[%swap3A_269, %swap3A_270], %mul3A_268 {strides = array<i32>} : memref<16x300xf32, #tpu.memory_space<vmem>>, vector<16xf32>,
      %mul3A_272 = vector.broadcast %squeeze3A : f32 to vector<16xf32>
      %mul3A_273 = arith.mulf %scan3A_251#2, %mul3A_272 : vector<16xf32>
      %swap3A_274 = arith.index_cast %rem3A_261 : i32 to index
      %swap3A_275 = arith.constant 32 : index
      %swap3A_276 = tpu.vector_load %arg11[%swap3A_274, %swap3A_275] {strides = array<i32>} : memref<16x300xf32, #tpu.memory_space<vmem>>, vector<16xf32>,
      tpu.vector_store %arg11[%swap3A_274, %swap3A_275], %mul3A_273 {strides = array<i32>} : memref<16x300xf32, #tpu.memory_space<vmem>>, vector<16xf32>,
      %mul3A_277 = vector.broadcast %squeeze3A : f32 to vector<16xf32>
      %mul3A_278 = arith.mulf %scan3A_251#3, %mul3A_277 : vector<16xf32>
      %swap3A_279 = arith.index_cast %rem3A_261 : i32 to index
      %swap3A_280 = arith.constant 48 : index
      %swap3A_281 = tpu.vector_load %arg11[%swap3A_279, %swap3A_280] {strides = array<i32>} : memref<16x300xf32, #tpu.memory_space<vmem>>, vector<16xf32>,
      tpu.vector_store %arg11[%swap3A_279, %swap3A_280], %mul3A_278 {strides = array<i32>} : memref<16x300xf32, #tpu.memory_space<vmem>>, vector<16xf32>,
      %mul3A_282 = vector.broadcast %squeeze3A : f32 to vector<16xf32>
      %mul3A_283 = arith.mulf %scan3A_251#4, %mul3A_282 : vector<16xf32>
      %swap3A_284 = arith.index_cast %rem3A_261 : i32 to index
      %swap3A_285 = arith.constant 64 : index
      %swap3A_286 = tpu.vector_load %arg11[%swap3A_284, %swap3A_285] {strides = array<i32>} : memref<16x300xf32, #tpu.memory_space<vmem>>, vector<16xf32>,
      tpu.vector_store %arg11[%swap3A_284, %swap3A_285], %mul3A_283 {strides = array<i32>} : memref<16x300xf32, #tpu.memory_space<vmem>>, vector<16xf32>,
      %mul3A_287 = vector.broadcast %squeeze3A : f32 to vector<16xf32>
      %mul3A_288 = arith.mulf %scan3A_251#5, %mul3A_287 : vector<16xf32>
      %swap3A_289 = arith.index_cast %rem3A_261 : i32 to index
      %swap3A_290 = arith.constant 80 : index
      %swap3A_291 = tpu.vector_load %arg11[%swap3A_289, %swap3A_290] {strides = array<i32>} : memref<16x300xf32, #tpu.memory_space<vmem>>, vector<16xf32>,
      tpu.vector_store %arg11[%swap3A_289, %swap3A_290], %mul3A_288 {strides = array<i32>} : memref<16x300xf32, #tpu.memory_space<vmem>>, vector<16xf32>,
      %mul3A_292 = vector.broadcast %squeeze3A : f32 to vector<16xf32>
      %mul3A_293 = arith.mulf %scan3A_251#6, %mul3A_292 : vector<16xf32>
      %swap3A_294 = arith.index_cast %rem3A_261 : i32 to index
      %swap3A_295 = arith.constant 96 : index
      %swap3A_296 = tpu.vector_load %arg11[%swap3A_294, %swap3A_295] {strides = array<i32>} : memref<16x300xf32, #tpu.memory_space<vmem>>, vector<16xf32>,
      tpu.vector_store %arg11[%swap3A_294, %swap3A_295], %mul3A_293 {strides = array<i32>} : memref<16x300xf32, #tpu.memory_space<vmem>>, vector<16xf32>,
      %mul3A_297 = vector.broadcast %squeeze3A : f32 to vector<16xf32>
      %mul3A_298 = arith.mulf %scan3A_251#7, %mul3A_297 : vector<16xf32>
      %swap3A_299 = arith.index_cast %rem3A_261 : i32 to index
      %swap3A_300 = arith.constant 112 : index
      %swap3A_301 = tpu.vector_load %arg11[%swap3A_299, %swap3A_300] {strides = array<i32>} : memref<16x300xf32, #tpu.memory_space<vmem>>, vector<16xf32>,
      tpu.vector_store %arg11[%swap3A_299, %swap3A_300], %mul3A_298 {strides = array<i32>} : memref<16x300xf32, #tpu.memory_space<vmem>>, vector<16xf32>,
      %mul3A_302 = vector.broadcast %squeeze3A : f32 to vector<16xf32>
      %mul3A_303 = arith.mulf %scan3A_251#8, %mul3A_302 : vector<16xf32>
      %swap3A_304 = arith.index_cast %rem3A_261 : i32 to index
      %swap3A_305 = arith.constant 128 : index
      %swap3A_306 = tpu.vector_load %arg11[%swap3A_304, %swap3A_305] {strides = array<i32>} : memref<16x300xf32, #tpu.memory_space<vmem>>, vector<16xf32>,
      tpu.vector_store %arg11[%swap3A_304, %swap3A_305], %mul3A_303 {strides = array<i32>} : memref<16x300xf32, #tpu.memory_space<vmem>>, vector<16xf32>,
      %mul3A_307 = vector.broadcast %squeeze3A : f32 to vector<16xf32>
      %mul3A_308 = arith.mulf %scan3A_251#9, %mul3A_307 : vector<16xf32>
      %swap3A_309 = arith.index_cast %rem3A_261 : i32 to index
      %swap3A_310 = arith.constant 144 : index
      %swap3A_311 = tpu.vector_load %arg11[%swap3A_309, %swap3A_310] {strides = array<i32>} : memref<16x300xf32, #tpu.memory_space<vmem>>, vector<16xf32>,
      tpu.vector_store %arg11[%swap3A_309, %swap3A_310], %mul3A_308 {strides = array<i32>} : memref<16x300xf32, #tpu.memory_space<vmem>>, vector<16xf32>,
      %mul3A_312 = vector.broadcast %squeeze3A : f32 to vector<16xf32>
      %mul3A_313 = arith.mulf %scan3A_251#10, %mul3A_312 : vector<16xf32>
      %swap3A_314 = arith.index_cast %rem3A_261 : i32 to index
      %swap3A_315 = arith.constant 160 : index
      %swap3A_316 = tpu.vector_load %arg11[%swap3A_314, %swap3A_315] {strides = array<i32>} : memref<16x300xf32, #tpu.memory_space<vmem>>, vector<16xf32>,
      tpu.vector_store %arg11[%swap3A_314, %swap3A_315], %mul3A_313 {strides = array<i32>} : memref<16x300xf32, #tpu.memory_space<vmem>>, vector<16xf32>,
      %mul3A_317 = vector.broadcast %squeeze3A : f32 to vector<16xf32>
      %mul3A_318 = arith.mulf %scan3A_251#11, %mul3A_317 : vector<16xf32>
      %swap3A_319 = arith.index_cast %rem3A_261 : i32 to index
      %swap3A_320 = arith.constant 176 : index
      %swap3A_321 = tpu.vector_load %arg11[%swap3A_319, %swap3A_320] {strides = array<i32>} : memref<16x300xf32, #tpu.memory_space<vmem>>, vector<16xf32>,
      tpu.vector_store %arg11[%swap3A_319, %swap3A_320], %mul3A_318 {strides = array<i32>} : memref<16x300xf32, #tpu.memory_space<vmem>>, vector<16xf32>,
      %mul3A_322 = vector.broadcast %squeeze3A : f32 to vector<16xf32>
      %mul3A_323 = arith.mulf %scan3A_251#12, %mul3A_322 : vector<16xf32>
      %swap3A_324 = arith.index_cast %rem3A_261 : i32 to index
      %swap3A_325 = arith.constant 192 : index
      %swap3A_326 = tpu.vector_load %arg11[%swap3A_324, %swap3A_325] {strides = array<i32>} : memref<16x300xf32, #tpu.memory_space<vmem>>, vector<16xf32>,
      tpu.vector_store %arg11[%swap3A_324, %swap3A_325], %mul3A_323 {strides = array<i32>} : memref<16x300xf32, #tpu.memory_space<vmem>>, vector<16xf32>,
      %mul3A_327 = vector.broadcast %squeeze3A : f32 to vector<16xf32>
      %mul3A_328 = arith.mulf %scan3A_251#13, %mul3A_327 : vector<16xf32>
      %swap3A_329 = arith.index_cast %rem3A_261 : i32 to index
      %swap3A_330 = arith.constant 208 : index
      %swap3A_331 = tpu.vector_load %arg11[%swap3A_329, %swap3A_330] {strides = array<i32>} : memref<16x300xf32, #tpu.memory_space<vmem>>, vector<16xf32>,
      tpu.vector_store %arg11[%swap3A_329, %swap3A_330], %mul3A_328 {strides = array<i32>} : memref<16x300xf32, #tpu.memory_space<vmem>>, vector<16xf32>,
      %mul3A_332 = vector.broadcast %squeeze3A : f32 to vector<16xf32>
      %mul3A_333 = arith.mulf %scan3A_251#14, %mul3A_332 : vector<16xf32>
      %swap3A_334 = arith.index_cast %rem3A_261 : i32 to index
      %swap3A_335 = arith.constant 224 : index
      %swap3A_336 = tpu.vector_load %arg11[%swap3A_334, %swap3A_335] {strides = array<i32>} : memref<16x300xf32, #tpu.memory_space<vmem>>, vector<16xf32>,
      tpu.vector_store %arg11[%swap3A_334, %swap3A_335], %mul3A_333 {strides = array<i32>} : memref<16x300xf32, #tpu.memory_space<vmem>>, vector<16xf32>,
      %mul3A_337 = vector.broadcast %squeeze3A : f32 to vector<16xf32>
      %mul3A_338 = arith.mulf %scan3A_251#15, %mul3A_337 : vector<16xf32>
      %swap3A_339 = arith.index_cast %rem3A_261 : i32 to index
      %swap3A_340 = arith.constant 240 : index
      %swap3A_341 = tpu.vector_load %arg11[%swap3A_339, %swap3A_340] {strides = array<i32>} : memref<16x300xf32, #tpu.memory_space<vmem>>, vector<16xf32>,
      tpu.vector_store %arg11[%swap3A_339, %swap3A_340], %mul3A_338 {strides = array<i32>} : memref<16x300xf32, #tpu.memory_space<vmem>>, vector<16xf32>,
      %mul3A_342 = vector.broadcast %squeeze3A : f32 to vector<16xf32>
      %mul3A_343 = arith.mulf %scan3A_251#16, %mul3A_342 : vector<16xf32>
      %swap3A_344 = arith.index_cast %rem3A_261 : i32 to index
      %swap3A_345 = arith.constant 256 : index
      %swap3A_346 = tpu.vector_load %arg11[%swap3A_344, %swap3A_345] {strides = array<i32>} : memref<16x300xf32, #tpu.memory_space<vmem>>, vector<16xf32>,
      tpu.vector_store %arg11[%swap3A_344, %swap3A_345], %mul3A_343 {strides = array<i32>} : memref<16x300xf32, #tpu.memory_space<vmem>>, vector<16xf32>,
      %mul3A_347 = vector.broadcast %squeeze3A : f32 to vector<16xf32>
      %mul3A_348 = arith.mulf %scan3A_251#17, %mul3A_347 : vector<16xf32>
      %swap3A_349 = arith.index_cast %rem3A_261 : i32 to index
      %swap3A_350 = arith.constant 272 : index
      %swap3A_351 = tpu.vector_load %arg11[%swap3A_349, %swap3A_350] {strides = array<i32>} : memref<16x300xf32, #tpu.memory_space<vmem>>, vector<16xf32>,
      tpu.vector_store %arg11[%swap3A_349, %swap3A_350], %mul3A_348 {strides = array<i32>} : memref<16x300xf32, #tpu.memory_space<vmem>>, vector<16xf32>,
      %mul3A_352 = vector.broadcast %squeeze3A : f32 to vector<16xf32>
      %mul3A_353 = arith.mulf %scan3A_251#18, %mul3A_352 : vector<16xf32>
      %swap3A_354 = arith.index_cast %rem3A_261 : i32 to index
      %swap3A_355 = arith.constant 284 : index
      %swap3A_356 = tpu.vector_load %arg11[%swap3A_354, %swap3A_355] {strides = array<i32>} : memref<16x300xf32, #tpu.memory_space<vmem>>, vector<16xf32>,
      tpu.vector_store %arg11[%swap3A_354, %swap3A_355], %mul3A_353 {strides = array<i32>} : memref<16x300xf32, #tpu.memory_space<vmem>>, vector<16xf32>,
      %eq3A_357 = arith.constant 15 : i32
      %eq3A_358 = arith.cmpi eq, %rem3A_261, %eq3A_357 : i32
      %convert_element_type3A_359 = arith.extui %eq3A_358 : i1 to i32
      %cond3A_360 = arith.constant 0 : i32
      %cond3A_361 = arith.cmpi ne, %convert_element_type3A_359, %cond3A_360 : i32
      scf.if %cond3A_361 {
        %add3A_362 = arith.addi %mul3A_3, %add3A_202 : i32
        %sub3A = arith.constant 15 : i32
        %sub3A_363 = arith.subi %add3A_362, %sub3A : i32
        %multiple_of3A_364 = tpu.assume_multiple %sub3A_363, 8 : i32
        "tpu.region"() ({
          %run_scoped3A = tpu.sem_alloc : memref<!tpu.dma_semaphore, #tpu.memory_space<semaphore_mem>>
          %dma_start3A_365 = arith.constant 0 : i32
          %dma_start3A_366 = tpu.memref_slice %arg7[%multiple_of3A_364, %dma_start3A_365] : memref<4096x300xf32, #tpu.memory_space<hbm>> -> memref<16x300xf32, #tpu.memory_space<hbm>>
          %dma_start3A_367 = arith.constant 0 : i32
          %dma_start3A_368 = tpu.memref_slice %arg7[%multiple_of3A_364, %dma_start3A_367] : memref<4096x300xf32, #tpu.memory_space<hbm>> -> memref<16x300xf32, #tpu.memory_space<hbm>>
          tpu.enqueue_dma source(%arg11 : memref<16x300xf32, #tpu.memory_space<vmem>>) target(%dma_start3A_368 : memref<16x300xf32, #tpu.memory_space<hbm>>) target_semaphore(%run_scoped3A : memref<!tpu.dma_semaphore, #tpu.memory_space<semaphore_mem>>)
          %dma_wait3A_369 = arith.constant 0 : i32
          %dma_wait3A_370 = tpu.memref_slice %arg7[%multiple_of3A_364, %dma_wait3A_369] : memref<4096x300xf32, #tpu.memory_space<hbm>> -> memref<16x300xf32, #tpu.memory_space<hbm>>
          %dma_wait3A_371 = arith.constant 0 : i32
          %dma_wait3A_372 = tpu.memref_slice %arg7[%multiple_of3A_364, %dma_wait3A_371] : memref<4096x300xf32, #tpu.memory_space<hbm>> -> memref<16x300xf32, #tpu.memory_space<hbm>>
          tpu.wait_dma2 semaphore(%run_scoped3A : memref<!tpu.dma_semaphore, #tpu.memory_space<semaphore_mem>>) src(%arg11 : memref<16x300xf32, #tpu.memory_space<vmem>>) dst(%dma_wait3A_372 : memref<16x300xf32, #tpu.memory_space<hbm>>)
          tpu.yield
        }) : () -> ()
      } else {
      }
    }
    %scan3A_42 = arith.constant 64 : i32
    return
  }
}

</mosaic_0001>

<sc_bundles>
// kernel: kernel.3.cloned.1.call-start
scs
__scs_entry_jumppad:
0x0: {  	(pc) =	sbr.rel $0x88, $3  }
0x1: {  	(tag) =	ssettag $0x0;
	lr =	simm.s32 $0x1  }
0x2: {  	[smem:$0x3F9E] =	sst lr;
	_ =	strace $0xD0000000  }
0x3: {  	_ = 	snop  }
0x4: {  	_ = 	snop  }
0x5: {  	_ = 	snop  }
0x6: {  	_ = 	snop  }
0x7: {  	_ = 	snop  }
__scs_overlays_trampoline_lowered:
0x8: {  	[smem:$0x3FAD] =	sst s0  }
0x9: {  	[smem:$0x3FAE] =	sst s1  }
0xa: {  	[smem:$0x3FAF] =	sst s2  }
0xb: {  	[smem:$0x3FB0] =	sst s3  }
0xc: {  	[smem:$0x3FB1] =	sst s4  }
0xd: {  	[smem:$0x3FB2] =	sst s5  }
0xe: {  	[smem:$0x3FB3] =	sst s6  }
0xf: {  	[smem:$0x3FB4] =	sst s7  }
0x10: {  	[smem:$0x3FB5] =	sst s8  }
0x11: {  	[smem:$0x3FB6] =	sst s9;
	s0 =	simm.s32 @!p0 $0x0  }
0x12: {  	s1 =	sld [smem:$0x3F9C];
	s0 =	simm.s32 @p0 $0x1  }
0x13: {  	[smem:$0x3FB7] =	sst s0;
	s0 =	simm.s32 @!p1 $0x0  }
0x14: {  	s2 =	sld [smem:$0x3F9B];
	s0 =	simm.s32 @p1 $0x1  }
0x15: {  	[smem:$0x3FB8] =	sst s0;
	s0 =	simm.s32 @!p2 $0x0  }
0x16: {  	s3 =	sld [smem:$0x3FDB];
	s0 =	simm.s32 @p2 $0x1  }
0x17: {  	s4 =	simm.s32 $0x1BF5;
	[smem:$0x3FBA] =	sst s0  }
0x18: {  	s0 =	sld [smem:$0x3F9D];
	_ =	swait.ge [sflag:s4], $0x0  }
0x19: {  	s7 =	sld [smem:$0x3F9E]  }
0x1a: {  	s8 =	sadd.s32 $0xFFFFE003, lr  }
0x1b: {  	s9 =	sadd.s32 $0xFFFFFEF7, lr;
	s5 =	simm.s32 $0xFFFFFFFF;
	p2 =	slt.u32 s8, $0xFFFFF086  }
0x1c: {  	p1 =	slt.u32 s9, $0xF7A;
	s5 =	simm.s32 @!p2 $0x0  }
0x1d: {  	s5 =	simm.s32 @p1 $0x1;
	p0 =	seq.s32 s7, s2  }
0x1e: {  	s7 =	smul.u32 @!p0 $0xF7A, s2;
	p2 =	seq.s32 @!p0 s5, $0x0  }
0x1f: {  	s9 =	smul.u32 $0xF7A, s1;
	s8 =	simm.s32 @!p0 $0x1BF5;
	p2 =	por !p2, p0  }
0x20: {  	[sflag:s8] =	ssyncset.s32 @!p0 $0xFFFFF086;
	s6 =	sadd.s32 @!p0 s3, s7;
	s7 =	simm.s32 @!p0 $0x108  }
0x21: {  	s3 =	sadd.s32 s3, s9;
	s6 =	sadd.s32 @!p0 $0x88, s6;
	s7 =	simm.s32 @p2 $0x1082  }
0x22: {  	[simem:s7], [sflag:s8] =	dma.local @!p0 [hbm:s6], $0xF7A  }
0x23: {  	s9 =	sor.u32 $0xD0000000, s2;
	s6 =	simm.s32 $0x108;
	_ =	swait.ge @!p0 [sflag:s8], $0x0  }
0x24: {  	s3 =	sadd.s32 $0x88, s3;
	s6 =	simm.s32 @!p1 $0x1082;
	[sflag:s4] =	ssyncset.s32 $0xFFFFF086  }
0x25: {  	[simem:s6], [sflag:s4] =	dma.local [hbm:s3], $0xF7A  }
0x26: {  	[smem:$0x3F9E] =	sst s1;
	(tag) =	ssettag s2;
	_ =	strace s9  }
0x27: {  	s1 =	sld [smem:$0x3FAE]  }
0x28: {  	s2 =	sld [smem:$0x3FAF]  }
0x29: {  	s4 =	sld [smem:$0x3FB1]  }
0x2a: {  	p0 =	seq.s32 s5, $0x0;
	s5 =	sld [smem:$0x3FB2]  }
0x2b: {  	s6 =	sld [smem:$0x3FB3]  }
0x2c: {  	s7 =	sld [smem:$0x3FB4]  }
0x2d: {  	s3 =	simm.s32 $0x108;
	s8 =	sld [smem:$0x3FB5]  }
0x2e: {  	s3 =	simm.s32 @!p0 $0x1082;
	s9 =	sld [smem:$0x3FB6]  }
0x2f: {  	lr =	sadd.s32 s0, s3;
	s0 =	sld [smem:$0x3FAD]  }
0x30: {  	s3 =	sld [smem:$0x3FB0]  }
0x31: {  	[smem:$0x3FB9] =	sst s10  }
0x32: {  	s10 =	sld [smem:$0x3FB7];
	_ =	sdelay $0x3  }
0x33: {  	p0 =	seq.s32 s10, $0x1;
	s10 =	sld [smem:$0x3FB9];
	_ =	sdelay $0x3  }
0x34: {  	[smem:$0x3FB9] =	sst s10  }
0x35: {  	s10 =	sld [smem:$0x3FB8];
	_ =	sdelay $0x3  }
0x36: {  	p1 =	seq.s32 s10, $0x1;
	s10 =	sld [smem:$0x3FB9];
	_ =	sdelay $0x3  }
0x37: {  	[smem:$0x3FB9] =	sst s10  }
0x38: {  	s10 =	sld [smem:$0x3FBA]  }
0x39: {  	_ = 	snop;
	(pc) =	sbr.ind lr, $3  }
0x3a: {  	_ = 	snop  }
0x3b: {  	_ = 	snop  }
0x3c: {  	p2 =	seq.s32 s10, $0x1;
	s10 =	sld [smem:$0x3FB9]  }
0x3d: {  	_ =	shalt  }
0x3e: {  	_ =	shalt  }
0x3f: {  	_ =	shalt  }
0x40: {  	_ =	shalt  }
0x41: {  	_ =	shalt  }
0x42: {  	_ =	shalt  }
0x43: {  	_ =	shalt  }
0x44: {  	_ =	shalt  }
0x45: {  	_ =	shalt  }
0x46: {  	_ =	shalt  }
0x47: {  	_ =	shalt  }
0x48: {  	_ =	shalt  }
0x49: {  	_ =	shalt  }
0x4a: {  	_ =	shalt  }
0x4b: {  	_ =	shalt  }
0x4c: {  	_ =	shalt  }
0x4d: {  	_ =	shalt  }
0x4e: {  	_ =	shalt  }
0x4f: {  	_ =	shalt  }
0x50: {  	_ =	shalt  }
0x51: {  	_ =	shalt  }
0x52: {  	_ =	shalt  }
0x53: {  	_ =	shalt  }
0x54: {  	_ =	shalt  }
0x55: {  	_ =	shalt  }
0x56: {  	_ =	shalt  }
0x57: {  	_ =	shalt  }
0x58: {  	_ =	shalt  }
0x59: {  	_ =	shalt  }
0x5a: {  	_ =	shalt  }
0x5b: {  	_ =	shalt  }
0x5c: {  	_ =	shalt  }
0x5d: {  	_ =	shalt  }
0x5e: {  	_ =	shalt  }
0x5f: {  	_ =	shalt  }
0x60: {  	_ =	shalt  }
0x61: {  	_ =	shalt  }
0x62: {  	_ =	shalt  }
0x63: {  	_ =	shalt  }
0x64: {  	_ =	shalt  }
0x65: {  	_ =	shalt  }
0x66: {  	_ =	shalt  }
0x67: {  	_ =	shalt  }
0x68: {  	_ =	shalt  }
0x69: {  	_ =	shalt  }
0x6a: {  	_ =	shalt  }
0x6b: {  	_ =	shalt  }
0x6c: {  	_ =	shalt  }
0x6d: {  	_ =	shalt  }
0x6e: {  	_ =	shalt  }
0x6f: {  	_ =	shalt  }
0x70: {  	_ =	shalt  }
0x71: {  	_ =	shalt  }
0x72: {  	_ =	shalt  }
0x73: {  	_ =	shalt  }
0x74: {  	_ =	shalt  }
0x75: {  	_ =	shalt  }
0x76: {  	_ =	shalt  }
0x77: {  	_ =	shalt  }
0x78: {  	_ =	shalt  }
0x79: {  	_ =	shalt  }
0x7a: {  	_ =	shalt  }
0x7b: {  	_ =	shalt  }
0x7c: {  	_ =	shalt  }
0x7d: {  	_ =	shalt  }
0x7e: {  	_ =	shalt  }
0x7f: {  	_ =	shalt  }
0x80: {  	_ =	shalt  }
0x81: {  	_ =	shalt  }
0x82: {  	_ =	shalt  }
0x83: {  	_ =	shalt  }
0x84: {  	_ =	shalt  }
0x85: {  	_ =	shalt  }
0x86: {  	_ =	shalt  }
0x87: {  	_ =	shalt  }
.Lfunc_end0:
.L_simem_size_0:
called_computation_lowered:
.L_overlay_start_0:
0x88: {  	s2 =	sld [smem:$0x3FD9]  }
0x89: {  	s3 =	sld [smem:$0x3FFE];
	_ =	sdelay $0x1  }
0x8a: {  	s1 =	srdreg.scid  }
0x8b: {  	s0 =	sand.u32 $0x1, s1  }
0x8c: {  	s14 =	sshll.u32 s0, $0xA;
	s2 =	sadd.s32 s3, s2  }
0x8d: {  	s2 =	sadd.s32 s2, s14  }
0x8e: {  	[smem:$0x3FC5] =	sst s2  }
0x8f: {  	_ = 	snop  }
0x90: {  	s2 =	sld [smem:$0x3FD0];
	_ =	sdelay $0x2  }
0x91: {  	s15 =	simm.s32 $0xA;
	s4 =	simm.s32 $0x10  }
0x92: {  	[smem:s4], [sflag:s15] =	dma.local [hbm:s2], $0x1  }
0x93: {  	_ =	swait.eq [sflag:s15], $0x1  }
0x94: {  	[sflag:s15] =	ssyncset.done $0x0  }
0x95: {  	s16 =	sld [smem:$0x10];
	[sflag:s15] =	ssyncadd.s32 $0xFFFFFFFF  }
0x96: {  	s17 =	sld [smem:$0x11];
	(tm) =	ssettm $0x1  }
0x97: {  	s18 =	sld [smem:$0x3FFB];
	_ =	sdelay $0x3  }
0x98: {  	_ =	strace s18  }
0x99: {  	s4 =	sld [smem:$0x3FFC];
	_ =	sdelay $0x3  }
0x9a: {  	_ =	strace s4  }
0x9b: {  	s4 =	sld [smem:$0x3FFD];
	_ =	sdelay $0x3  }
0x9c: {  	_ =	strace s4  }
0x9d: {  	_ =	strace $0x8FFFFFFF  }
0x9e: {  	s19 =	sld [smem:$0x3FDB];
	_ =	sdelay $0x1  }
0x9f: {  	s5 =	simm.s32 $_scs_section_size  }
0xa0: {  	s6 =	simm.s32 $_size__tile_overlayer_lowered;
	s7 =	simm.s32 $_tile_overlayer_lowered  }
0xa1: {  	s22 =	simm.s32 $0x1BFF;
	s21 =	sshll.u32 s7, $0x1;
	s4 =	sadd.s32 s5, s19  }
0xa2: {  	s8 =	simm.s32 $0x0;
	s20 =	sshll.u32 s6, $0x1;
	s6 =	sadd.s32 s21, s4  }
0xa3: {  	[timem:s8], [sflag:s22] =	dma.local [hbm:s6], s20  }
0xa4: {  	_ =	swait.ge [sflag:s22], s20  }
0xa5: {  	s5 =	ssub.s32 $0x0, s20;
	[sflag:s22] =	ssyncset.done $0x0  }
0xa6: {  	[sflag:s22] =	ssyncadd.s32 s5;
	_ =	sdelay $0x1  }
0xa7: {  	s23 =	simm.s32 $0x1B8B  }
0xa8: {  	_ =	swait.ge [sflag:s23], $0x1  }
0xa9: {  	[sflag:s23] =	ssyncset.done $0x0  }
0xaa: {  	s25 =	simm.s32 $0x1B8E;
	s24 =	sld [smem:$0x3FFE];
	[sflag:s23] =	ssyncadd.s32 $0xFFFFFFFF  }
0xab: {  	s26 =	simm.s32 $execute0_lowered;
	[smem:$0x3FD2] =	sst s25  }
0xac: {  	s6 =	sshll.u32 s26, $0x1;
	_ =	strace $0x80000046;
	[dreg:$0x1] =	wrdreg $0xFFFFFFFF  }
0xad: {  	s28 =	simm.s32 $_size_execute0_lowered;
	s4 =	sadd.s32 s4, s6;
	[dreg:$0x0] =	wrdreg $0x0  }
0xae: {  	s6 =	sshll.u32 s28, $0x1;
	[dreg:$0x2] =	wrdreg s4  }
0xaf: {  	[dreg:$0x3] =	wrdreg s6  }
0xb0: {  	[dreg:$0x4] =	wrdreg $0xC0  }
0xb1: {  	_ =	task [dreg:s8], $0x5FFFF  }
0xb2: {  	[dreg:$0x1] =	wrdreg $0xFFFFFFFF  }
0xb3: {  	[dreg:$0x0] =	wrdreg $0x60  }
0xb4: {  	[dreg:$0x2] =	wrdreg s16  }
0xb5: {  	[dreg:$0x3] =	wrdreg s24  }
0xb6: {  	[dreg:$0x4] =	wrdreg s17  }
0xb7: {  	[dreg:$0x5] =	wrdreg $0x9  }
0xb8: {  	_ =	task.clear_ibuf [dreg:s8], $0x6FFFF;
	_ =	strace $0x90000046  }
0xb9: {  	s29 =	simm.s32 $0x9;
	_ =	strace $0x80000048  }
0xba: {  	_ =	swait.ge [sflag:s29], $0x1  }
0xbb: {  	[sflag:s29] =	ssyncadd.s32 $0xFFFFFFFF  }
0xbc: {  	_ =	strace $0x90000048  }
0xbd: {  	_ =	sfence  }
0xbe: {  	s30 =	sld [smem:$0x0];
	_ =	sdelay $0x2  }
0xbf: {  	s31 =	sshll.u32 s1, $0xD;
	s1 =	sshrl.u32 s1, $0x2  }
0xc0: {  	s3 =	sand.u32 $0x4000, s31;
	s1 =	sadd.s32 s1, s30  }
0xc1: {  	s0 =	sor.u32 s3, s0;
	s1 =	sshll.u32 s1, $0x11  }
0xc2: {  	s0 =	sor.u32 s1, s0  }
0xc3: {  	s0 =	sadd.s32 $0x8F2B, s0  }
0xc4: {  	[sflag:s0] =	ssyncadd.remote.s32 $0x1  }
0xc5: {  	_ =	sfence.sel $0xFFFF  }
0xc6: {  	[dreg:$0x0] =	wrdreg $0xFFFFFFFF;
	(pc) =	sbr.abs _section_cstart, $3  }
0xc7: {  	[dreg:$0x1] =	wrdreg $0xFFFFFFFF  }
0xc8: {  	_ =	task.clear_ibuf [dreg:s8], $0x2FFFF;
	_ =	strace $0x9FFFFFFF  }
0xc9: {  	(tm) =	ssettm $0x7FFFFFFF  }
tec
execute0_lowered:
.L_overlay_start_1:
0x0: {  	(tag) =	ssettag $0x1  }
0x1: {  	s8 =	rddreg [dreg:$0x0]  }
0x2: {  	s1 =	srdreg.scid;
	s7 =	rddreg [dreg:$0x1]  }
0x3: {  	s0 =	stileid.u32;
	s2 =	rddreg [dreg:$0x2];
	s3 =	simm.s32 $0x0  }
0x4: {  	s13 =	simm.s32 $0x32;
	s14 =	simm.s32 $0x1C00;
	s15 =	simm.s32 $0x38  }
0x5: {  	s16 =	simm.s32 $0x5760;
	s17 =	simm.s32 $0x1;
	s18 =	simm.s32 $0x2  }
0x6: {  	s19 =	simm.s32 $0x0;
	s5 =	sand.u32 $0x1, s1;
	s1 =	rddreg [dreg:$0x3]  }
0x7: {  	s4 =	sshll.u32 s0, $0x8;
	[smem:$0x7FF] =	sst s3;
	s6 =	sshll.u32 s5, $0x7  }
0x8: {  	_ =	strace $0x80000047;
	s10 =	ssub.s32 $0x2, s5;
	s4 =	sor.u32 s6, s4  }
0x9: {  	s5 =	sadd.s32 $0xE00, s7;
	s12 =	sshrl.u32 s10, $0x1;
	s9 =	smul.u32 $0x7, s4  }
0xa: {  	s6 =	sadd.s32 $0xE86E00, s7;
	s10 =	ssub.s32 s10, s12;
	s12 =	simm.s32 $0x3  }
0xb: {  	s10 =	smax.u32 s10, $0x1;
	s11 =	sadd.s32 s9, s7;
	s7 =	sadd.s32 $0xE87000, s7  }
0xc: {  	s8 =	sadd.s32 s8, s9;
	s9 =	sadd.s32 $0xE7FE00, s11;
	s11 =	simm.s32 $0xA5C0  }
.LBB2_1:
0xd: {  	[tilespmem:s11], [sflag:$0x3] =	stream.linear.gather [hbm4b:s6+s3], $0x1, $0x38;
	[tilespmem:$0xA5D0] =	vst v63  }
0xe: {  	_ =	swait.ge [sflag:s12], $0x1  }
0xf: {  	[sflag:s12] =	ssyncset.done $0x0  }
0x10: {  	[sflag:s12] =	ssyncadd.s32 $0xFFFFFFFF  }
0x11: {  	v0 =	vld.msk [tilespmem:$0xA5C0 ss:$0x0], $0xffff;
	[tilespmem:s3], [sflag:$0x3] =	stream.linear.gather [hbm4b:s8+s3], $0x1C00, $0x38  }
0x12: {  	_ =	swait.ge [sflag:s12], $0x1C00  }
0x13: {  	[sflag:s12] =	ssyncset.done $0x0  }
0x14: {  	[sflag:s12] =	ssyncadd.s32 $0xFFFFE400  }
0x15: {  	[tilespmem:s14], [sflag:$0x1] =	stream.indirect.gather [hbm4b:s5+s13], $0x130, s3, s13, $0xb8;
	[tilespmem:$0xA5D0] =	vst v63  }
0x16: {  	s20 =	simm.s32 $0x0  }
0x17: {  	[tilespmem:s16], [sflag:$0x2] =	stream.indirect.gather [hbm4b:s5+s13], $0x130, s15, s13, $0xb8;
	[tilespmem:$0xA5D0] =	vst v63  }
.LBB2_2:
0x18: {  	_ =	swait.ge [sflag:s17], $0x3B60  }
0x19: {  	[sflag:s17] =	ssyncset.done $0x0  }
0x1a: {  	s22 =	simm.s32 $0x0;
	[sflag:s17] =	ssyncadd.s32 $0xFFFFC4A0  }
0x1b: {  	v1 =	vld [tilespmem:s22+$0x1D1C]  }
0x1c: {  	v3 =	vld [tilespmem:s22+$0x1C00]  }
0x1d: {  	v4 =	vld [tilespmem:s22+$0x1C10]  }
0x1e: {  	v5 =	vld [tilespmem:s22+$0x1C20]  }
0x1f: {  	v6 =	vld [tilespmem:s22+$0x1C30]  }
0x20: {  	v7 =	vld [tilespmem:s22+$0x1C40]  }
0x21: {  	v8 =	vld [tilespmem:s22+$0x1C50]  }
0x22: {  	v9 =	vld [tilespmem:s22+$0x1C60]  }
0x23: {  	v10 =	vld [tilespmem:s22+$0x1C70]  }
0x24: {  	v11 =	vld [tilespmem:s22+$0x1C80]  }
0x25: {  	v2 =	vimm.f32 $0.0e+00;
	v20 =	vld [tilespmem:s22+$0x1C90]  }
0x26: {  	v21 =	vld [tilespmem:s22+$0x1CA0];
	v1 =	vadd.f32 v1, v2;
	v19 =	vadd.f32 v3, v2  }
0x27: {  	v3 =	vld [tilespmem:s22+$0x1CB0];
	v18 =	vadd.f32 v4, v2;
	v16 =	vadd.f32 v5, v2  }
0x28: {  	v4 =	vld [tilespmem:s22+$0x1CC0];
	v17 =	vadd.f32 v6, v2;
	v15 =	vadd.f32 v7, v2  }
0x29: {  	v24 =	vld [tilespmem:s22+$0x1CD0];
	v14 =	vadd.f32 v8, v2;
	v13 =	vadd.f32 v9, v2  }
0x2a: {  	v23 =	vld [tilespmem:s22+$0x1CE0];
	v12 =	vadd.f32 v10, v2;
	v11 =	vadd.f32 v11, v2  }
0x2b: {  	v22 =	vld [tilespmem:s22+$0x1CF0];
	v10 =	vadd.f32 v20, v2;
	v9 =	vadd.f32 v21, v2  }
0x2c: {  	v20 =	vld [tilespmem:s22+$0x1D00];
	v6 =	vimm.f32 $0.0e+00;
	v7 =	vimm.f32 $0.0e+00;
	v8 =	vadd.f32 v3, v2  }
0x2d: {  	s23 =	simm.s32 $0x130;
	s21 =	simm.s32 $0x980;
	v21 =	vld [tilespmem:s22+$0x1D10];
	v5 =	vadd.f32 v4, v2;
	v4 =	vimm.f32 $0.0e+00;
	v3 =	vimm.f32 $0.0e+00  }
.LBB2_3:
0x2e: {  	p0 =	sne.s32 s21, $0xE8C0;
	v25 =	vld [tilespmem:s23+$0x1D1C];
	v2 =	vadd.f32 v24, v2  }
0x2f: {  	v24 =	vld [tilespmem:s23+$0x1C00];
	v6 =	vadd.f32 v23, v6  }
0x30: {  	v23 =	vld [tilespmem:s23+$0x1C10];
	v7 =	vadd.f32 v22, v7  }
0x31: {  	v22 =	vld [tilespmem:s23+$0x1C20];
	v4 =	vadd.f32 v20, v4  }
0x32: {  	v20 =	vld [tilespmem:s23+$0x1C30];
	v3 =	vadd.f32 v21, v3  }
0x33: {  	v21 =	vld [tilespmem:s23+$0x1C40];
	v1 =	vadd.f32 v25, v1  }
0x34: {  	v19 =	vadd.f32 v24, v19;
	v24 =	vld [tilespmem:s23+$0x1C50]  }
0x35: {  	v18 =	vadd.f32 v23, v18;
	v23 =	vld [tilespmem:s23+$0x1C60]  }
0x36: {  	v16 =	vadd.f32 v22, v16;
	v22 =	vld [tilespmem:s23+$0x1C70]  }
0x37: {  	v17 =	vadd.f32 v20, v17;
	v20 =	vld [tilespmem:s23+$0x1C80]  }
0x38: {  	v15 =	vadd.f32 v21, v15;
	v21 =	vld [tilespmem:s23+$0x1C90]  }
0x39: {  	v14 =	vadd.f32 v24, v14;
	v25 =	vld [tilespmem:s23+$0x1CA0]  }
0x3a: {  	v13 =	vadd.f32 v23, v13;
	v26 =	vld [tilespmem:s23+$0x1CB0]  }
0x3b: {  	v12 =	vadd.f32 v22, v12;
	v27 =	vld [tilespmem:s23+$0x1CC0]  }
.Ltmp0:
0x3c: {  	v11 =	vadd.f32 v20, v11;
	v24 =	vld [tilespmem:s23+$0x1CD0];
	(pc) =	sbr.rel @p0 .LBB2_3-.Ltmp0, $4  }
0x3d: {  	v10 =	vadd.f32 v21, v10;
	v23 =	vld [tilespmem:s23+$0x1CE0]  }
0x3e: {  	v9 =	vadd.f32 v25, v9;
	v22 =	vld [tilespmem:s23+$0x1CF0]  }
0x3f: {  	v8 =	vadd.f32 v26, v8;
	v20 =	vld [tilespmem:s23+$0x1D00]  }
0x40: {  	v5 =	vadd.f32 v27, v5;
	v21 =	vld [tilespmem:s23+$0x1D10];
	s23 =	sshra.s32 s21, $0x2;
	s21 =	sadd.s32 $0x4C0, s21  }
0x41: {  	v25 =	vld [tilespmem:s23+$0x1D1C]  }
0x42: {  	v26 =	vld [tilespmem:s23+$0x1C00]  }
0x43: {  	v27 =	vld [tilespmem:s23+$0x1C10]  }
0x44: {  	v28 =	vld [tilespmem:s23+$0x1C20]  }
0x45: {  	v29 =	vld [tilespmem:s23+$0x1C30]  }
0x46: {  	v30 =	vld [tilespmem:s23+$0x1C40]  }
0x47: {  	v31 =	vld [tilespmem:s23+$0x1C50]  }
0x48: {  	v32 =	vld [tilespmem:s23+$0x1C60]  }
0x49: {  	v33 =	vld [tilespmem:s23+$0x1C70]  }
0x4a: {  	v34 =	vld [tilespmem:s23+$0x1C80]  }
0x4b: {  	v35 =	vld [tilespmem:s23+$0x1C90]  }
0x4c: {  	v36 =	vld [tilespmem:s23+$0x1CA0]  }
0x4d: {  	v37 =	vld [tilespmem:s23+$0x1CB0]  }
0x4e: {  	v38 =	vld [tilespmem:s23+$0x1CC0]  }
0x4f: {  	p0 =	seq.s32 s20, $0x3F;
	v39 =	vld [tilespmem:s23+$0x1CD0];
	s22 =	sshll.u32 s20, $0x1  }
0x50: {  	v40 =	vld [tilespmem:s23+$0x1CE0];
	s21 =	smul.u32 @!p0 $0x1C0, s20;
	s25 =	sand.u32 $0xE, s22  }
0x51: {  	v41 =	vld [tilespmem:s23+$0x1CF0];
	s25 =	smul.u32 $0x4C0, s25;
	v19 =	vadd.f32 v26, v19  }
0x52: {  	s26 =	simm.s32 @!p0 $0x1C00;
	s21 =	sshra.s32 @!p0 s21, $0x2;
	v26 =	vld [tilespmem:s23+$0x1D00];
	v18 =	vadd.f32 v27, v18  }
0x53: {  	s24 =	sadd.s32 @!p0 $0x70, s21;
	s30 =	sshrl.u32 s25, $0x2;
	v27 =	vld [tilespmem:s23+$0x1D10];
	s23 =	simm.s32 @!p0 $0x32;
	v16 =	vadd.f32 v28, v16;
	v19 =	vmul.f32 v19, v0  }
0x54: {  	v17 =	vadd.f32 v29, v17;
	[tilespmem:s26], [sflag:$0x1] =	stream.indirect.gather @!p0 [hbm4b:s5+s23], $0x130, s24, s23, $0xb8;
	v18 =	vmul.f32 v18, v0;
	[tilespmem:$0xA5D0] =	vst v63  }
0x55: {  	v15 =	vadd.f32 v30, v15;
	v16 =	vmul.f32 v16, v0;
	[tilespmem:s30+$0x92C0] =	vst v19  }
0x56: {  	v14 =	vadd.f32 v31, v14;
	v17 =	vmul.f32 v17, v0;
	[tilespmem:s30+$0x92D0] =	vst v18  }
0x57: {  	v13 =	vadd.f32 v32, v13;
	v15 =	vmul.f32 v15, v0;
	[tilespmem:s30+$0x92E0] =	vst v16  }
0x58: {  	v12 =	vadd.f32 v33, v12;
	v14 =	vmul.f32 v14, v0;
	[tilespmem:s30+$0x92F0] =	vst v17  }
0x59: {  	v11 =	vadd.f32 v34, v11;
	v13 =	vmul.f32 v13, v0;
	[tilespmem:s30+$0x9300] =	vst v15  }
0x5a: {  	v10 =	vadd.f32 v35, v10;
	v12 =	vmul.f32 v12, v0;
	[tilespmem:s30+$0x9310] =	vst v14  }
0x5b: {  	v9 =	vadd.f32 v36, v9;
	v11 =	vmul.f32 v11, v0;
	[tilespmem:s30+$0x9320] =	vst v13  }
0x5c: {  	v2 =	vadd.f32 v24, v2;
	v8 =	vadd.f32 v37, v8;
	v10 =	vmul.f32 v10, v0;
	[tilespmem:s30+$0x9330] =	vst v12  }
0x5d: {  	v6 =	vadd.f32 v23, v6;
	v5 =	vadd.f32 v38, v5;
	v9 =	vmul.f32 v9, v0;
	[tilespmem:s30+$0x9340] =	vst v11  }
0x5e: {  	v7 =	vadd.f32 v22, v7;
	v2 =	vadd.f32 v39, v2;
	v8 =	vmul.f32 v8, v0;
	[tilespmem:s30+$0x9350] =	vst v10  }
0x5f: {  	v4 =	vadd.f32 v20, v4;
	v6 =	vadd.f32 v40, v6;
	v5 =	vmul.f32 v5, v0;
	[tilespmem:s30+$0x9360] =	vst v9  }
0x60: {  	v3 =	vadd.f32 v21, v3;
	v7 =	vadd.f32 v41, v7;
	v2 =	vmul.f32 v2, v0;
	[tilespmem:s30+$0x9370] =	vst v8  }
0x61: {  	[tilespmem:s30+$0x9380] =	vst v5;
	v5 =	vmul.f32 v6, v0;
	v4 =	vadd.f32 v26, v4  }
0x62: {  	[tilespmem:s30+$0x9390] =	vst v2;
	v2 =	vmul.f32 v7, v0;
	v3 =	vadd.f32 v27, v3  }
0x63: {  	v1 =	vadd.f32 v25, v1;
	[tilespmem:s30+$0x93A0] =	vst v5;
	v4 =	vmul.f32 v4, v0  }
0x64: {  	[tilespmem:s30+$0x93B0] =	vst v2;
	v2 =	vmul.f32 v3, v0  }
0x65: {  	v1 =	vmul.f32 v1, v0;
	[tilespmem:s30+$0x93C0] =	vst v4  }
0x66: {  	[tilespmem:s30+$0x93D0] =	vst v2  }
0x67: {  	[tilespmem:s30+$0x93DC] =	vst v1  }
0x68: {  	_ =	swait.ge [sflag:s18], $0x3B60  }
0x69: {  	[sflag:s18] =	ssyncset.done $0x0  }
0x6a: {  	s31 =	simm.s32 $0x0;
	[sflag:s18] =	ssyncadd.s32 $0xFFFFC4A0  }
0x6b: {  	v1 =	vld [tilespmem:s31+$0x587C]  }
0x6c: {  	v3 =	vld [tilespmem:s31+$0x5760]  }
0x6d: {  	v4 =	vld [tilespmem:s31+$0x5770]  }
0x6e: {  	v5 =	vld [tilespmem:s31+$0x5780]  }
0x6f: {  	v6 =	vld [tilespmem:s31+$0x5790]  }
0x70: {  	v7 =	vld [tilespmem:s31+$0x57A0]  }
0x71: {  	v8 =	vld [tilespmem:s31+$0x57B0]  }
0x72: {  	v9 =	vld [tilespmem:s31+$0x57C0]  }
0x73: {  	v10 =	vld [tilespmem:s31+$0x57D0]  }
0x74: {  	v11 =	vld [tilespmem:s31+$0x57E0]  }
0x75: {  	v2 =	vimm.f32 $0.0e+00;
	v20 =	vld [tilespmem:s31+$0x57F0]  }
0x76: {  	v21 =	vld [tilespmem:s31+$0x5800];
	v1 =	vadd.f32 v1, v2;
	v19 =	vadd.f32 v3, v2  }
0x77: {  	v3 =	vld [tilespmem:s31+$0x5810];
	v18 =	vadd.f32 v4, v2;
	v16 =	vadd.f32 v5, v2  }
0x78: {  	v4 =	vld [tilespmem:s31+$0x5820];
	v17 =	vadd.f32 v6, v2;
	v15 =	vadd.f32 v7, v2  }
0x79: {  	v24 =	vld [tilespmem:s31+$0x5830];
	v14 =	vadd.f32 v8, v2;
	v13 =	vadd.f32 v9, v2  }
0x7a: {  	v23 =	vld [tilespmem:s31+$0x5840];
	v12 =	vadd.f32 v10, v2;
	v11 =	vadd.f32 v11, v2  }
0x7b: {  	v22 =	vld [tilespmem:s31+$0x5850];
	v10 =	vadd.f32 v20, v2;
	v9 =	vadd.f32 v21, v2  }
0x7c: {  	v20 =	vld [tilespmem:s31+$0x5860];
	v6 =	vimm.f32 $0.0e+00;
	v7 =	vimm.f32 $0.0e+00;
	v8 =	vadd.f32 v3, v2  }
0x7d: {  	s23 =	simm.s32 $0x130;
	s24 =	simm.s32 $0x980;
	v21 =	vld [tilespmem:s31+$0x5870];
	v5 =	vadd.f32 v4, v2;
	v4 =	vimm.f32 $0.0e+00;
	v3 =	vimm.f32 $0.0e+00  }
.LBB2_5:
0x7e: {  	p1 =	sne.s32 s24, $0xE8C0;
	v25 =	vld [tilespmem:s23+$0x587C];
	v2 =	vadd.f32 v24, v2  }
0x7f: {  	v24 =	vld [tilespmem:s23+$0x5760];
	v6 =	vadd.f32 v23, v6  }
0x80: {  	v23 =	vld [tilespmem:s23+$0x5770];
	v7 =	vadd.f32 v22, v7  }
0x81: {  	v22 =	vld [tilespmem:s23+$0x5780];
	v4 =	vadd.f32 v20, v4  }
0x82: {  	v20 =	vld [tilespmem:s23+$0x5790];
	v3 =	vadd.f32 v21, v3  }
0x83: {  	v21 =	vld [tilespmem:s23+$0x57A0];
	v1 =	vadd.f32 v25, v1  }
0x84: {  	v19 =	vadd.f32 v24, v19;
	v24 =	vld [tilespmem:s23+$0x57B0]  }
0x85: {  	v18 =	vadd.f32 v23, v18;
	v23 =	vld [tilespmem:s23+$0x57C0]  }
0x86: {  	v16 =	vadd.f32 v22, v16;
	v22 =	vld [tilespmem:s23+$0x57D0]  }
0x87: {  	v17 =	vadd.f32 v20, v17;
	v20 =	vld [tilespmem:s23+$0x57E0]  }
0x88: {  	v15 =	vadd.f32 v21, v15;
	v21 =	vld [tilespmem:s23+$0x57F0]  }
0x89: {  	v14 =	vadd.f32 v24, v14;
	v25 =	vld [tilespmem:s23+$0x5800]  }
0x8a: {  	v13 =	vadd.f32 v23, v13;
	v26 =	vld [tilespmem:s23+$0x5810]  }
0x8b: {  	v12 =	vadd.f32 v22, v12;
	v27 =	vld [tilespmem:s23+$0x5820]  }
.Ltmp1:
0x8c: {  	v11 =	vadd.f32 v20, v11;
	v24 =	vld [tilespmem:s23+$0x5830];
	(pc) =	sbr.rel @p1 .LBB2_5-.Ltmp1, $4  }
0x8d: {  	v10 =	vadd.f32 v21, v10;
	v23 =	vld [tilespmem:s23+$0x5840]  }
0x8e: {  	v9 =	vadd.f32 v25, v9;
	v22 =	vld [tilespmem:s23+$0x5850]  }
0x8f: {  	v8 =	vadd.f32 v26, v8;
	v20 =	vld [tilespmem:s23+$0x5860]  }
0x90: {  	v5 =	vadd.f32 v27, v5;
	v21 =	vld [tilespmem:s23+$0x5870];
	s23 =	sshra.s32 s24, $0x2;
	s24 =	sadd.s32 $0x4C0, s24  }
0x91: {  	v25 =	vld [tilespmem:s23+$0x587C]  }
0x92: {  	v26 =	vld [tilespmem:s23+$0x5760]  }
0x93: {  	v27 =	vld [tilespmem:s23+$0x5770]  }
0x94: {  	v28 =	vld [tilespmem:s23+$0x5780]  }
0x95: {  	v29 =	vld [tilespmem:s23+$0x5790]  }
0x96: {  	v30 =	vld [tilespmem:s23+$0x57A0]  }
0x97: {  	v31 =	vld [tilespmem:s23+$0x57B0]  }
0x98: {  	v32 =	vld [tilespmem:s23+$0x57C0]  }
0x99: {  	v33 =	vld [tilespmem:s23+$0x57D0]  }
0x9a: {  	v34 =	vld [tilespmem:s23+$0x57E0]  }
0x9b: {  	v35 =	vld [tilespmem:s23+$0x57F0]  }
0x9c: {  	v36 =	vld [tilespmem:s23+$0x5800]  }
0x9d: {  	v37 =	vld [tilespmem:s23+$0x5810]  }
0x9e: {  	v38 =	vld [tilespmem:s23+$0x5820]  }
0x9f: {  	v39 =	vld [tilespmem:s23+$0x5830]  }
0xa0: {  	v40 =	vld [tilespmem:s23+$0x5840]  }
0xa1: {  	v41 =	vld [tilespmem:s23+$0x5850];
	s22 =	sor.u32 $0x1, s22  }
0xa2: {  	v61 =	vld [tilespmem:s23+$0x5860];
	s21 =	sadd.s32 @!p0 $0xA8, s21;
	s24 =	sand.u32 $0xF, s22;
	v19 =	vadd.f32 v26, v19  }
0xa3: {  	v62 =	vld [tilespmem:s23+$0x5870];
	s23 =	simm.s32 @!p0 $0x32;
	s25 =	simm.s32 @!p0 $0x5760;
	s26 =	smul.u32 $0x4C0, s24;
	v18 =	vadd.f32 v27, v18  }
0xa4: {  	[tilespmem:s25], [sflag:$0x2] =	stream.indirect.gather @!p0 [hbm4b:s5+s23], $0x130, s21, s23, $0xb8;
	v16 =	vadd.f32 v28, v16;
	v19 =	vmul.f32 v19, v0;
	[tilespmem:$0xA5D0] =	vst v63  }
0xa5: {  	s31 =	sshrl.u32 s26, $0x2;
	v17 =	vadd.f32 v29, v17;
	v18 =	vmul.f32 v18, v0  }
0xa6: {  	v15 =	vadd.f32 v30, v15;
	v16 =	vmul.f32 v16, v0;
	[tilespmem:s31+$0x92C0] =	vst v19  }
0xa7: {  	v14 =	vadd.f32 v31, v14;
	v17 =	vmul.f32 v17, v0;
	[tilespmem:s31+$0x92D0] =	vst v18  }
0xa8: {  	v13 =	vadd.f32 v32, v13;
	v15 =	vmul.f32 v15, v0;
	[tilespmem:s31+$0x92E0] =	vst v16  }
0xa9: {  	v12 =	vadd.f32 v33, v12;
	v14 =	vmul.f32 v14, v0;
	[tilespmem:s31+$0x92F0] =	vst v17  }
0xaa: {  	v11 =	vadd.f32 v34, v11;
	v13 =	vmul.f32 v13, v0;
	[tilespmem:s31+$0x9300] =	vst v15  }
0xab: {  	v10 =	vadd.f32 v35, v10;
	v12 =	vmul.f32 v12, v0;
	[tilespmem:s31+$0x9310] =	vst v14  }
0xac: {  	v9 =	vadd.f32 v36, v9;
	v11 =	vmul.f32 v11, v0;
	[tilespmem:s31+$0x9320] =	vst v13  }
0xad: {  	v2 =	vadd.f32 v24, v2;
	v8 =	vadd.f32 v37, v8;
	v10 =	vmul.f32 v10, v0;
	[tilespmem:s31+$0x9330] =	vst v12  }
0xae: {  	v6 =	vadd.f32 v23, v6;
	v5 =	vadd.f32 v38, v5;
	v9 =	vmul.f32 v9, v0;
	[tilespmem:s31+$0x9340] =	vst v11  }
0xaf: {  	v7 =	vadd.f32 v22, v7;
	v2 =	vadd.f32 v39, v2;
	v8 =	vmul.f32 v8, v0;
	[tilespmem:s31+$0x9350] =	vst v10  }
0xb0: {  	v4 =	vadd.f32 v20, v4;
	v6 =	vadd.f32 v40, v6;
	v5 =	vmul.f32 v5, v0;
	[tilespmem:s31+$0x9360] =	vst v9  }
0xb1: {  	v3 =	vadd.f32 v21, v3;
	v7 =	vadd.f32 v41, v7;
	v2 =	vmul.f32 v2, v0;
	[tilespmem:s31+$0x9370] =	vst v8  }
0xb2: {  	p0 =	sne.s32 s24, $0xF;
	v4 =	vadd.f32 v61, v4;
	v63 =	vmul.f32 v6, v0;
	[tilespmem:s31+$0x9380] =	vst v5  }
0xb3: {  	s22 =	sadd.s32 @!p0 s4, s22;
	v3 =	vadd.f32 v62, v3;
	[tilespmem:s31+$0x9390] =	vst v2;
	v2 =	vmul.f32 v7, v0  }
0xb4: {  	s22 =	smul.u32 @!p0 $0x130, s22;
	v1 =	vadd.f32 v25, v1;
	v4 =	vmul.f32 v4, v0;
	[tilespmem:s31+$0x93A0] =	vst v63  }
0xb5: {  	[tilespmem:s31+$0x93B0] =	vst v2;
	v2 =	vmul.f32 v3, v0  }
0xb6: {  	s20 =	sadd.s32 $0x1, s20;
	s22 =	sadd.s32 @!p0 $0xFFFFEE30, s22;
	v1 =	vmul.f32 v1, v0;
	[tilespmem:s31+$0x93C0] =	vst v4  }
0xb7: {  	p1 =	sne.s32 s20, $0x40;
	s22 =	sshrl.u32 @!p0 s22, $0x3;
	[tilespmem:s31+$0x93D0] =	vst v2  }
0xb8: {  	s23 =	simm.s32 @!p0 $0x92C0;
	s21 =	sadd.s32 @!p0 s2, s22;
	s22 =	simm.s32 @!p0 $0x0;
	[tilespmem:s31+$0x93DC] =	vst v1  }
0xb9: {  	[hbm4b:s21+s22] =	stream.linear.scatter @!p0 [tilespmem:s23], [sflag:$0x3], $0x1300, $0x38;
	[tilespmem:$0xA5D0] =	vst v63  }
.Ltmp2:
0xba: {  	_ = 	snop;
	(pc) =	sbr.rel @p1 .LBB2_2-.Ltmp2, $4  }
0xbb: {  	s21 =	simm.s32 @!p0 $0x3  }
0xbc: {  	_ =	swait.ge @!p0 [sflag:s21], $0x1300  }
0xbd: {  	[sflag:s21] =	ssyncset.done @!p0 $0x0  }
0xbe: {  	[sflag:s21] =	ssyncadd.s32 @!p0 $0xFFFFED00  }
0xbf: {  	s20 =	simm.s32 $0x0  }
0xc0: {  	[tilespmem:s20], [sflag:$0x3] =	stream.linear.gather [hbm4b:s9+s20], $0x1C00, $0x38;
	[tilespmem:$0xA5D0] =	vst v63  }
0xc1: {  	_ =	swait.ge [sflag:s12], $0x1C00  }
0xc2: {  	[sflag:s12] =	ssyncset.done $0x0  }
0xc3: {  	[sflag:s12] =	ssyncadd.s32 $0xFFFFE400  }
0xc4: {  	[tilespmem:s14], [sflag:$0x1] =	stream.indirect.gather [hbm4b:s5+s13], $0x130, s20, s13, $0xb8;
	[tilespmem:$0xA5D0] =	vst v63  }
0xc5: {  	_ = 	snop  }
0xc6: {  	[tilespmem:s16], [sflag:$0x2] =	stream.indirect.gather [hbm4b:s5+s13], $0x130, s15, s13, $0xb8;
	[tilespmem:$0xA5D0] =	vst v63  }
.LBB2_8:
0xc7: {  	_ =	swait.ge [sflag:s17], $0x3B60  }
0xc8: {  	[sflag:s17] =	ssyncset.done $0x0  }
0xc9: {  	s22 =	simm.s32 $0x0;
	[sflag:s17] =	ssyncadd.s32 $0xFFFFC4A0  }
0xca: {  	v1 =	vld [tilespmem:s22+$0x1D1C]  }
0xcb: {  	v3 =	vld [tilespmem:s22+$0x1C00]  }
0xcc: {  	v4 =	vld [tilespmem:s22+$0x1C10]  }
0xcd: {  	v5 =	vld [tilespmem:s22+$0x1C20]  }
0xce: {  	v6 =	vld [tilespmem:s22+$0x1C30]  }
0xcf: {  	v7 =	vld [tilespmem:s22+$0x1C40]  }
0xd0: {  	v8 =	vld [tilespmem:s22+$0x1C50]  }
0xd1: {  	v9 =	vld [tilespmem:s22+$0x1C60]  }
0xd2: {  	v10 =	vld [tilespmem:s22+$0x1C70]  }
0xd3: {  	v11 =	vld [tilespmem:s22+$0x1C80]  }
0xd4: {  	v2 =	vimm.f32 $0.0e+00;
	v20 =	vld [tilespmem:s22+$0x1C90]  }
0xd5: {  	v21 =	vld [tilespmem:s22+$0x1CA0];
	v1 =	vadd.f32 v1, v2;
	v19 =	vadd.f32 v3, v2  }
0xd6: {  	v3 =	vld [tilespmem:s22+$0x1CB0];
	v18 =	vadd.f32 v4, v2;
	v16 =	vadd.f32 v5, v2  }
0xd7: {  	v4 =	vld [tilespmem:s22+$0x1CC0];
	v17 =	vadd.f32 v6, v2;
	v15 =	vadd.f32 v7, v2  }
0xd8: {  	v24 =	vld [tilespmem:s22+$0x1CD0];
	v14 =	vadd.f32 v8, v2;
	v13 =	vadd.f32 v9, v2  }
0xd9: {  	v23 =	vld [tilespmem:s22+$0x1CE0];
	v12 =	vadd.f32 v10, v2;
	v11 =	vadd.f32 v11, v2  }
0xda: {  	v22 =	vld [tilespmem:s22+$0x1CF0];
	v10 =	vadd.f32 v20, v2;
	v9 =	vadd.f32 v21, v2  }
0xdb: {  	v20 =	vld [tilespmem:s22+$0x1D00];
	v6 =	vimm.f32 $0.0e+00;
	v7 =	vimm.f32 $0.0e+00;
	v8 =	vadd.f32 v3, v2  }
0xdc: {  	s23 =	simm.s32 $0x130;
	s21 =	simm.s32 $0x980;
	v21 =	vld [tilespmem:s22+$0x1D10];
	v5 =	vadd.f32 v4, v2;
	v4 =	vimm.f32 $0.0e+00;
	v3 =	vimm.f32 $0.0e+00  }
.LBB2_9:
0xdd: {  	p0 =	sne.s32 s21, $0xE8C0;
	v25 =	vld [tilespmem:s23+$0x1D1C];
	v2 =	vadd.f32 v24, v2  }
0xde: {  	v24 =	vld [tilespmem:s23+$0x1C00];
	v6 =	vadd.f32 v23, v6  }
0xdf: {  	v23 =	vld [tilespmem:s23+$0x1C10];
	v7 =	vadd.f32 v22, v7  }
0xe0: {  	v22 =	vld [tilespmem:s23+$0x1C20];
	v4 =	vadd.f32 v20, v4  }
0xe1: {  	v20 =	vld [tilespmem:s23+$0x1C30];
	v3 =	vadd.f32 v21, v3  }
0xe2: {  	v21 =	vld [tilespmem:s23+$0x1C40];
	v1 =	vadd.f32 v25, v1  }
0xe3: {  	v19 =	vadd.f32 v24, v19;
	v24 =	vld [tilespmem:s23+$0x1C50]  }
0xe4: {  	v18 =	vadd.f32 v23, v18;
	v23 =	vld [tilespmem:s23+$0x1C60]  }
0xe5: {  	v16 =	vadd.f32 v22, v16;
	v22 =	vld [tilespmem:s23+$0x1C70]  }
0xe6: {  	v17 =	vadd.f32 v20, v17;
	v20 =	vld [tilespmem:s23+$0x1C80]  }
0xe7: {  	v15 =	vadd.f32 v21, v15;
	v21 =	vld [tilespmem:s23+$0x1C90]  }
0xe8: {  	v14 =	vadd.f32 v24, v14;
	v25 =	vld [tilespmem:s23+$0x1CA0]  }
0xe9: {  	v13 =	vadd.f32 v23, v13;
	v26 =	vld [tilespmem:s23+$0x1CB0]  }
0xea: {  	v12 =	vadd.f32 v22, v12;
	v27 =	vld [tilespmem:s23+$0x1CC0]  }
.Ltmp3:
0xeb: {  	v11 =	vadd.f32 v20, v11;
	v24 =	vld [tilespmem:s23+$0x1CD0];
	(pc) =	sbr.rel @p0 .LBB2_9-.Ltmp3, $4  }
0xec: {  	v10 =	vadd.f32 v21, v10;
	v23 =	vld [tilespmem:s23+$0x1CE0]  }
0xed: {  	v9 =	vadd.f32 v25, v9;
	v22 =	vld [tilespmem:s23+$0x1CF0]  }
0xee: {  	v8 =	vadd.f32 v26, v8;
	v20 =	vld [tilespmem:s23+$0x1D00]  }
0xef: {  	v5 =	vadd.f32 v27, v5;
	v21 =	vld [tilespmem:s23+$0x1D10];
	s23 =	sshra.s32 s21, $0x2;
	s21 =	sadd.s32 $0x4C0, s21  }
0xf0: {  	v25 =	vld [tilespmem:s23+$0x1D1C]  }
0xf1: {  	v26 =	vld [tilespmem:s23+$0x1C00]  }
0xf2: {  	v27 =	vld [tilespmem:s23+$0x1C10]  }
0xf3: {  	v28 =	vld [tilespmem:s23+$0x1C20]  }
0xf4: {  	v29 =	vld [tilespmem:s23+$0x1C30]  }
0xf5: {  	v30 =	vld [tilespmem:s23+$0x1C40]  }
0xf6: {  	v31 =	vld [tilespmem:s23+$0x1C50]  }
0xf7: {  	v32 =	vld [tilespmem:s23+$0x1C60]  }
0xf8: {  	v33 =	vld [tilespmem:s23+$0x1C70]  }
0xf9: {  	v34 =	vld [tilespmem:s23+$0x1C80]  }
0xfa: {  	v35 =	vld [tilespmem:s23+$0x1C90]  }
0xfb: {  	v36 =	vld [tilespmem:s23+$0x1CA0]  }
0xfc: {  	v37 =	vld [tilespmem:s23+$0x1CB0]  }
0xfd: {  	v38 =	vld [tilespmem:s23+$0x1CC0]  }
0xfe: {  	p0 =	seq.s32 s20, $0x3F;
	v39 =	vld [tilespmem:s23+$0x1CD0];
	s22 =	sshll.u32 s20, $0x1  }
0xff: {  	v40 =	vld [tilespmem:s23+$0x1CE0];
	s21 =	smul.u32 @!p0 $0x1C0, s20;
	s25 =	sand.u32 $0xE, s22  }
0x100: {  	v41 =	vld [tilespmem:s23+$0x1CF0];
	s25 =	smul.u32 $0x4C0, s25;
	v19 =	vadd.f32 v26, v19  }
0x101: {  	s26 =	simm.s32 @!p0 $0x1C00;
	s21 =	sshra.s32 @!p0 s21, $0x2;
	v26 =	vld [tilespmem:s23+$0x1D00];
	v18 =	vadd.f32 v27, v18  }
0x102: {  	s24 =	sadd.s32 @!p0 $0x70, s21;
	s30 =	sshrl.u32 s25, $0x2;
	v27 =	vld [tilespmem:s23+$0x1D10];
	s23 =	simm.s32 @!p0 $0x32;
	v16 =	vadd.f32 v28, v16;
	v19 =	vmul.f32 v19, v0  }
0x103: {  	v17 =	vadd.f32 v29, v17;
	[tilespmem:s26], [sflag:$0x1] =	stream.indirect.gather @!p0 [hbm4b:s5+s23], $0x130, s24, s23, $0xb8;
	v18 =	vmul.f32 v18, v0;
	[tilespmem:$0xA5D0] =	vst v63  }
0x104: {  	v15 =	vadd.f32 v30, v15;
	v16 =	vmul.f32 v16, v0;
	[tilespmem:s30+$0x92C0] =	vst v19  }
0x105: {  	v14 =	vadd.f32 v31, v14;
	v17 =	vmul.f32 v17, v0;
	[tilespmem:s30+$0x92D0] =	vst v18  }
0x106: {  	v13 =	vadd.f32 v32, v13;
	v15 =	vmul.f32 v15, v0;
	[tilespmem:s30+$0x92E0] =	vst v16  }
0x107: {  	v12 =	vadd.f32 v33, v12;
	v14 =	vmul.f32 v14, v0;
	[tilespmem:s30+$0x92F0] =	vst v17  }
0x108: {  	v11 =	vadd.f32 v34, v11;
	v13 =	vmul.f32 v13, v0;
	[tilespmem:s30+$0x9300] =	vst v15  }
0x109: {  	v10 =	vadd.f32 v35, v10;
	v12 =	vmul.f32 v12, v0;
	[tilespmem:s30+$0x9310] =	vst v14  }
0x10a: {  	v9 =	vadd.f32 v36, v9;
	v11 =	vmul.f32 v11, v0;
	[tilespmem:s30+$0x9320] =	vst v13  }
0x10b: {  	v2 =	vadd.f32 v24, v2;
	v8 =	vadd.f32 v37, v8;
	v10 =	vmul.f32 v10, v0;
	[tilespmem:s30+$0x9330] =	vst v12  }
0x10c: {  	v6 =	vadd.f32 v23, v6;
	v5 =	vadd.f32 v38, v5;
	v9 =	vmul.f32 v9, v0;
	[tilespmem:s30+$0x9340] =	vst v11  }
0x10d: {  	v7 =	vadd.f32 v22, v7;
	v2 =	vadd.f32 v39, v2;
	v8 =	vmul.f32 v8, v0;
	[tilespmem:s30+$0x9350] =	vst v10  }
0x10e: {  	v4 =	vadd.f32 v20, v4;
	v6 =	vadd.f32 v40, v6;
	v5 =	vmul.f32 v5, v0;
	[tilespmem:s30+$0x9360] =	vst v9  }
0x10f: {  	v3 =	vadd.f32 v21, v3;
	v7 =	vadd.f32 v41, v7;
	v2 =	vmul.f32 v2, v0;
	[tilespmem:s30+$0x9370] =	vst v8  }
0x110: {  	[tilespmem:s30+$0x9380] =	vst v5;
	v5 =	vmul.f32 v6, v0;
	v4 =	vadd.f32 v26, v4  }
0x111: {  	[tilespmem:s30+$0x9390] =	vst v2;
	v2 =	vmul.f32 v7, v0;
	v3 =	vadd.f32 v27, v3  }
0x112: {  	v1 =	vadd.f32 v25, v1;
	[tilespmem:s30+$0x93A0] =	vst v5;
	v4 =	vmul.f32 v4, v0  }
0x113: {  	[tilespmem:s30+$0x93B0] =	vst v2;
	v2 =	vmul.f32 v3, v0  }
0x114: {  	v1 =	vmul.f32 v1, v0;
	[tilespmem:s30+$0x93C0] =	vst v4  }
0x115: {  	[tilespmem:s30+$0x93D0] =	vst v2  }
0x116: {  	[tilespmem:s30+$0x93DC] =	vst v1  }
0x117: {  	_ =	swait.ge [sflag:s18], $0x3B60  }
0x118: {  	[sflag:s18] =	ssyncset.done $0x0  }
0x119: {  	s31 =	simm.s32 $0x0;
	[sflag:s18] =	ssyncadd.s32 $0xFFFFC4A0  }
0x11a: {  	v1 =	vld [tilespmem:s31+$0x587C]  }
0x11b: {  	v3 =	vld [tilespmem:s31+$0x5760]  }
0x11c: {  	v4 =	vld [tilespmem:s31+$0x5770]  }
0x11d: {  	v5 =	vld [tilespmem:s31+$0x5780]  }
0x11e: {  	v6 =	vld [tilespmem:s31+$0x5790]  }
0x11f: {  	v7 =	vld [tilespmem:s31+$0x57A0]  }
0x120: {  	v8 =	vld [tilespmem:s31+$0x57B0]  }
0x121: {  	v9 =	vld [tilespmem:s31+$0x57C0]  }
0x122: {  	v10 =	vld [tilespmem:s31+$0x57D0]  }
0x123: {  	v11 =	vld [tilespmem:s31+$0x57E0]  }
0x124: {  	v2 =	vimm.f32 $0.0e+00;
	v20 =	vld [tilespmem:s31+$0x57F0]  }
0x125: {  	v21 =	vld [tilespmem:s31+$0x5800];
	v1 =	vadd.f32 v1, v2;
	v19 =	vadd.f32 v3, v2  }
0x126: {  	v3 =	vld [tilespmem:s31+$0x5810];
	v18 =	vadd.f32 v4, v2;
	v16 =	vadd.f32 v5, v2  }
0x127: {  	v4 =	vld [tilespmem:s31+$0x5820];
	v17 =	vadd.f32 v6, v2;
	v15 =	vadd.f32 v7, v2  }
0x128: {  	v24 =	vld [tilespmem:s31+$0x5830];
	v14 =	vadd.f32 v8, v2;
	v13 =	vadd.f32 v9, v2  }
0x129: {  	v23 =	vld [tilespmem:s31+$0x5840];
	v12 =	vadd.f32 v10, v2;
	v11 =	vadd.f32 v11, v2  }
0x12a: {  	v22 =	vld [tilespmem:s31+$0x5850];
	v10 =	vadd.f32 v20, v2;
	v9 =	vadd.f32 v21, v2  }
0x12b: {  	v20 =	vld [tilespmem:s31+$0x5860];
	v6 =	vimm.f32 $0.0e+00;
	v7 =	vimm.f32 $0.0e+00;
	v8 =	vadd.f32 v3, v2  }
0x12c: {  	s23 =	simm.s32 $0x130;
	s24 =	simm.s32 $0x980;
	v21 =	vld [tilespmem:s31+$0x5870];
	v5 =	vadd.f32 v4, v2;
	v4 =	vimm.f32 $0.0e+00;
	v3 =	vimm.f32 $0.0e+00  }
.LBB2_11:
0x12d: {  	p1 =	sne.s32 s24, $0xE8C0;
	v25 =	vld [tilespmem:s23+$0x587C];
	v2 =	vadd.f32 v24, v2  }
0x12e: {  	v24 =	vld [tilespmem:s23+$0x5760];
	v6 =	vadd.f32 v23, v6  }
0x12f: {  	v23 =	vld [tilespmem:s23+$0x5770];
	v7 =	vadd.f32 v22, v7  }
0x130: {  	v22 =	vld [tilespmem:s23+$0x5780];
	v4 =	vadd.f32 v20, v4  }
0x131: {  	v20 =	vld [tilespmem:s23+$0x5790];
	v3 =	vadd.f32 v21, v3  }
0x132: {  	v21 =	vld [tilespmem:s23+$0x57A0];
	v1 =	vadd.f32 v25, v1  }
0x133: {  	v19 =	vadd.f32 v24, v19;
	v24 =	vld [tilespmem:s23+$0x57B0]  }
0x134: {  	v18 =	vadd.f32 v23, v18;
	v23 =	vld [tilespmem:s23+$0x57C0]  }
0x135: {  	v16 =	vadd.f32 v22, v16;
	v22 =	vld [tilespmem:s23+$0x57D0]  }
0x136: {  	v17 =	vadd.f32 v20, v17;
	v20 =	vld [tilespmem:s23+$0x57E0]  }
0x137: {  	v15 =	vadd.f32 v21, v15;
	v21 =	vld [tilespmem:s23+$0x57F0]  }
0x138: {  	v14 =	vadd.f32 v24, v14;
	v25 =	vld [tilespmem:s23+$0x5800]  }
0x139: {  	v13 =	vadd.f32 v23, v13;
	v26 =	vld [tilespmem:s23+$0x5810]  }
0x13a: {  	v12 =	vadd.f32 v22, v12;
	v27 =	vld [tilespmem:s23+$0x5820]  }
.Ltmp4:
0x13b: {  	v11 =	vadd.f32 v20, v11;
	v24 =	vld [tilespmem:s23+$0x5830];
	(pc) =	sbr.rel @p1 .LBB2_11-.Ltmp4, $4  }
0x13c: {  	v10 =	vadd.f32 v21, v10;
	v23 =	vld [tilespmem:s23+$0x5840]  }
0x13d: {  	v9 =	vadd.f32 v25, v9;
	v22 =	vld [tilespmem:s23+$0x5850]  }
0x13e: {  	v8 =	vadd.f32 v26, v8;
	v20 =	vld [tilespmem:s23+$0x5860]  }
0x13f: {  	v5 =	vadd.f32 v27, v5;
	v21 =	vld [tilespmem:s23+$0x5870];
	s23 =	sshra.s32 s24, $0x2;
	s24 =	sadd.s32 $0x4C0, s24  }
0x140: {  	v25 =	vld [tilespmem:s23+$0x587C]  }
0x141: {  	v26 =	vld [tilespmem:s23+$0x5760]  }
0x142: {  	v27 =	vld [tilespmem:s23+$0x5770]  }
0x143: {  	v28 =	vld [tilespmem:s23+$0x5780]  }
0x144: {  	v29 =	vld [tilespmem:s23+$0x5790]  }
0x145: {  	v30 =	vld [tilespmem:s23+$0x57A0]  }
0x146: {  	v31 =	vld [tilespmem:s23+$0x57B0]  }
0x147: {  	v32 =	vld [tilespmem:s23+$0x57C0]  }
0x148: {  	v33 =	vld [tilespmem:s23+$0x57D0]  }
0x149: {  	v34 =	vld [tilespmem:s23+$0x57E0]  }
0x14a: {  	v35 =	vld [tilespmem:s23+$0x57F0]  }
0x14b: {  	v36 =	vld [tilespmem:s23+$0x5800]  }
0x14c: {  	v37 =	vld [tilespmem:s23+$0x5810]  }
0x14d: {  	v38 =	vld [tilespmem:s23+$0x5820]  }
0x14e: {  	v39 =	vld [tilespmem:s23+$0x5830]  }
0x14f: {  	v40 =	vld [tilespmem:s23+$0x5840]  }
0x150: {  	v41 =	vld [tilespmem:s23+$0x5850];
	s22 =	sor.u32 $0x1, s22  }
0x151: {  	v61 =	vld [tilespmem:s23+$0x5860];
	s21 =	sadd.s32 @!p0 $0xA8, s21;
	s24 =	sand.u32 $0xF, s22;
	v19 =	vadd.f32 v26, v19  }
0x152: {  	v62 =	vld [tilespmem:s23+$0x5870];
	s23 =	simm.s32 @!p0 $0x32;
	s25 =	simm.s32 @!p0 $0x5760;
	s26 =	smul.u32 $0x4C0, s24;
	v18 =	vadd.f32 v27, v18  }
0x153: {  	[tilespmem:s25], [sflag:$0x2] =	stream.indirect.gather @!p0 [hbm4b:s5+s23], $0x130, s21, s23, $0xb8;
	v16 =	vadd.f32 v28, v16;
	v19 =	vmul.f32 v19, v0;
	[tilespmem:$0xA5D0] =	vst v63  }
0x154: {  	s31 =	sshrl.u32 s26, $0x2;
	v17 =	vadd.f32 v29, v17;
	v18 =	vmul.f32 v18, v0  }
0x155: {  	v15 =	vadd.f32 v30, v15;
	v16 =	vmul.f32 v16, v0;
	[tilespmem:s31+$0x92C0] =	vst v19  }
0x156: {  	v14 =	vadd.f32 v31, v14;
	v17 =	vmul.f32 v17, v0;
	[tilespmem:s31+$0x92D0] =	vst v18  }
0x157: {  	v13 =	vadd.f32 v32, v13;
	v15 =	vmul.f32 v15, v0;
	[tilespmem:s31+$0x92E0] =	vst v16  }
0x158: {  	v12 =	vadd.f32 v33, v12;
	v14 =	vmul.f32 v14, v0;
	[tilespmem:s31+$0x92F0] =	vst v17  }
0x159: {  	v11 =	vadd.f32 v34, v11;
	v13 =	vmul.f32 v13, v0;
	[tilespmem:s31+$0x9300] =	vst v15  }
0x15a: {  	v10 =	vadd.f32 v35, v10;
	v12 =	vmul.f32 v12, v0;
	[tilespmem:s31+$0x9310] =	vst v14  }
0x15b: {  	v9 =	vadd.f32 v36, v9;
	v11 =	vmul.f32 v11, v0;
	[tilespmem:s31+$0x9320] =	vst v13  }
0x15c: {  	v2 =	vadd.f32 v24, v2;
	v8 =	vadd.f32 v37, v8;
	v10 =	vmul.f32 v10, v0;
	[tilespmem:s31+$0x9330] =	vst v12  }
0x15d: {  	v6 =	vadd.f32 v23, v6;
	v5 =	vadd.f32 v38, v5;
	v9 =	vmul.f32 v9, v0;
	[tilespmem:s31+$0x9340] =	vst v11  }
0x15e: {  	v7 =	vadd.f32 v22, v7;
	v2 =	vadd.f32 v39, v2;
	v8 =	vmul.f32 v8, v0;
	[tilespmem:s31+$0x9350] =	vst v10  }
0x15f: {  	v4 =	vadd.f32 v20, v4;
	v6 =	vadd.f32 v40, v6;
	v5 =	vmul.f32 v5, v0;
	[tilespmem:s31+$0x9360] =	vst v9  }
0x160: {  	v3 =	vadd.f32 v21, v3;
	v7 =	vadd.f32 v41, v7;
	v2 =	vmul.f32 v2, v0;
	[tilespmem:s31+$0x9370] =	vst v8  }
0x161: {  	p0 =	sne.s32 s24, $0xF;
	v4 =	vadd.f32 v61, v4;
	v63 =	vmul.f32 v6, v0;
	[tilespmem:s31+$0x9380] =	vst v5  }
0x162: {  	s22 =	sadd.s32 @!p0 s4, s22;
	v3 =	vadd.f32 v62, v3;
	[tilespmem:s31+$0x9390] =	vst v2;
	v2 =	vmul.f32 v7, v0  }
0x163: {  	s22 =	smul.u32 @!p0 $0x130, s22;
	v1 =	vadd.f32 v25, v1;
	v4 =	vmul.f32 v4, v0;
	[tilespmem:s31+$0x93A0] =	vst v63  }
0x164: {  	[tilespmem:s31+$0x93B0] =	vst v2;
	v2 =	vmul.f32 v3, v0  }
0x165: {  	s20 =	sadd.s32 $0x1, s20;
	s22 =	sadd.s32 @!p0 $0xFFFFEE30, s22;
	v1 =	vmul.f32 v1, v0;
	[tilespmem:s31+$0x93C0] =	vst v4  }
0x166: {  	p1 =	sne.s32 s20, $0x40;
	s22 =	sshrl.u32 @!p0 s22, $0x3;
	[tilespmem:s31+$0x93D0] =	vst v2  }
0x167: {  	s23 =	simm.s32 @!p0 $0x92C0;
	s21 =	sadd.s32 @!p0 s7, s22;
	s22 =	simm.s32 @!p0 $0x0;
	[tilespmem:s31+$0x93DC] =	vst v1  }
0x168: {  	[hbm4b:s21+s22] =	stream.linear.scatter @!p0 [tilespmem:s23], [sflag:$0x3], $0x1300, $0x38;
	[tilespmem:$0xA5D0] =	vst v63  }
.Ltmp5:
0x169: {  	_ = 	snop;
	(pc) =	sbr.rel @p1 .LBB2_8-.Ltmp5, $4  }
0x16a: {  	s21 =	simm.s32 @!p0 $0x3  }
0x16b: {  	_ =	swait.ge @!p0 [sflag:s21], $0x1300  }
0x16c: {  	[sflag:s21] =	ssyncset.done @!p0 $0x0  }
0x16d: {  	[sflag:s21] =	ssyncadd.s32 @!p0 $0xFFFFED00  }
0x16e: {  	s19 =	sadd.s32 $0x1, s19  }
0x16f: {  	p0 =	sne.s32 s19, s10  }
.Ltmp6:
0x170: {  	_ = 	snop;
	(pc) =	sbr.rel @p0 .LBB2_1-.Ltmp6, $1  }
0x171: {  	_ =	sdelay $0x3  }
0x172: {  	_ =	sfence.sel $0x180000  }
0x173: {  	[bflag:$0x0] =	sbarrier.arrive $0xFFFF  }
0x174: {  	p0 =	sne.s32 s0, $0x0;
	_ =	strace $0x90000047  }
0x175: {  	s0 =	sadd.s32 @!p0 $0x100000, s1;
	[bflag:$0x2] =	sbarrier.arrive $0xFFFF  }
0x176: {  	[sflag:s0] =	ssyncadd.tile.s32 @!p0 $0x1;
	_ =	shalt  }
.Lfunc_end2:
_tile_overlayer_lowered:
.L_overlay_start_2:
0x177: {  	(tag) =	ssettag $0x2  }
0x178: {  	s0 =	rddreg [dreg:$0x0];
	s2 =	stileid.u32  }
0x179: {  	s1 =	rddreg [dreg:$0x1];
	p0 =	sne.s32 s2, $0x0  }
0x17a: {  	s3 =	rddreg [dreg:$0x2];
	[bflag:$0x3] =	sbarrier.arrive $0xFFFF;
	s2 =	simm.s32 @!p0 $0x1C03  }
0x17b: {  	[timem:s3], [sflag:s2] =	dma.local @!p0 [hbm:s0], s1  }
0x17c: {  	s0 =	simm.s32 @!p0 $0x3  }
0x17d: {  	_ =	swait.ge @!p0 [sflag:s0], s1  }
0x17e: {  	s1 =	ssub.s32 @!p0 $0x0, s1;
	[sflag:s0] =	ssyncset.done @!p0 $0x0  }
0x17f: {  	[sflag:s0] =	ssyncadd.s32 @!p0 s1  }
0x180: {  	[bflag:$0x3] =	sbarrier.arrive $0xFFFF  }
0x181: {  	_ =	shalt  }

</sc_bundles>
